<compile_context>
chip_gen: v7x
topology: tpu7x:2x2x1
jax: 0.10.2.dev20260603
libtpu: 0.0.44.dev20260713+nightly
codegen_flags: <defaults>
</compile_context>

<pallas_src>
import functools

import jax
import jax.numpy as jnp
from jax import lax
from jax.experimental import pallas as pl
from jax.experimental.pallas import tpu as pltpu
from jax.experimental.pallas import tpu_sc as plsc

NC = 2
NS = 16
LN = 16
RPT = 640
EXCH = 512
SCH = 640
WK = 32
WCAP = 11264
WSZ = WCAP + 224


def _tc_pre(x, W, a_s, a_d, C, P):
    N = x.shape[0]
    F = x.shape[1]
    BN = 1000

    def body(x_ref, w_ref, as_ref, ad_ref, hx_ref, aa_ref):
        h = jnp.dot(x_ref[...], w_ref[...], preferred_element_type=jnp.float32)
        hx_ref[:, :C] = h
        col = lax.broadcasted_iota(jnp.int32, (BN, P), 1)
        hx_ref[:, C:] = jnp.where(col == 0, 1.0, 0.0)
        a1 = jnp.sum(h * as_ref[...], axis=1)
        a2 = jnp.sum(h * ad_ref[...], axis=1)
        aa_ref[...] = jnp.stack([a1, a2], axis=1)

    return pl.pallas_call(
        body,
        grid=(N // BN,),
        in_specs=[
            pl.BlockSpec((BN, F), lambda i: (i, 0)),
            pl.BlockSpec((F, C), lambda i: (0, 0)),
            pl.BlockSpec((1, C), lambda i: (0, 0)),
            pl.BlockSpec((1, C), lambda i: (0, 0)),
        ],
        out_specs=[
            pl.BlockSpec((BN, C + P), lambda i: (i, 0)),
            pl.BlockSpec((BN, 2), lambda i: (i, 0)),
        ],
        out_shape=[
            jax.ShapeDtypeStruct((N, C + P), jnp.float32),
            jax.ShapeDtypeStruct((N, 2), jnp.float32),
        ],
    )(x, W, a_s.reshape(1, C), a_d.reshape(1, C))


def _tc_mid(U, b, W, a_s, a_d, C, P, C2, P2):
    N = U.shape[1]
    BN = 1000

    def body(u_ref, b_ref, w_ref, as_ref, ad_ref, hx_ref, aa_ref):
        u = u_ref[0] + u_ref[1]
        o = u[:, :C] / (u[:, C:C + 1] + 1e-16) + b_ref[...]
        x2 = jnp.where(o > 0, o, jnp.exp(jnp.minimum(o, 0.0)) - 1.0)
        h = jnp.dot(x2, w_ref[...], preferred_element_type=jnp.float32)
        hx_ref[:, :C2] = h
        col = lax.broadcasted_iota(jnp.int32, (BN, P2), 1)
        hx_ref[:, C2:] = jnp.where(col == 0, 1.0, 0.0)
        a1 = jnp.sum(h * as_ref[...], axis=1)
        a2 = jnp.sum(h * ad_ref[...], axis=1)
        aa_ref[...] = jnp.stack([a1, a2], axis=1)

    return pl.pallas_call(
        body,
        grid=(N // BN,),
        in_specs=[
            pl.BlockSpec((2, BN, C + P), lambda i: (0, i, 0)),
            pl.BlockSpec((1, C), lambda i: (0, 0)),
            pl.BlockSpec((C, C2), lambda i: (0, 0)),
            pl.BlockSpec((1, C2), lambda i: (0, 0)),
            pl.BlockSpec((1, C2), lambda i: (0, 0)),
        ],
        out_specs=[
            pl.BlockSpec((BN, C2 + P2), lambda i: (i, 0)),
            pl.BlockSpec((BN, 2), lambda i: (i, 0)),
        ],
        out_shape=[
            jax.ShapeDtypeStruct((N, C2 + P2), jnp.float32),
            jax.ShapeDtypeStruct((N, 2), jnp.float32),
        ],
    )(U, b.reshape(1, C), W, a_s.reshape(1, C2), a_d.reshape(1, C2))


def _tc_post(U, b, C, P):
    N = U.shape[1]
    BN = 1000

    def body(u_ref, b_ref, out_ref):
        u = u_ref[0] + u_ref[1]
        o = u[:, :C] / (u[:, C:C + 1] + 1e-16) + b_ref[...]
        m = jnp.max(o, axis=1, keepdims=True)
        s = o - m
        lse = jnp.log(jnp.sum(jnp.exp(s), axis=1, keepdims=True))
        out_ref[...] = s - lse

    return pl.pallas_call(
        body,
        grid=(N // BN,),
        in_specs=[
            pl.BlockSpec((2, BN, C + P), lambda i: (0, i, 0)),
            pl.BlockSpec((1, C), lambda i: (0, 0)),
        ],
        out_specs=pl.BlockSpec((BN, C), lambda i: (i, 0)),
        out_shape=jax.ShapeDtypeStruct((N, C), jnp.float32),
    )(U, b.reshape(1, C))



_GDN = lax.GatherDimensionNumbers(
    offset_dims=(), collapsed_slice_dims=(0,), start_index_map=(0,))


def _lane_bcast(vec, idx16):
    return lax.gather(vec, idx16[:, None], _GDN, (1,),
                      mode=lax.GatherScatterMode.PROMISE_IN_BOUNDS)


_SC_PARAMS = pltpu.CompilerParams(
    needs_layout_passes=False, use_tc_tiling_on_sc=False)


@functools.partial(jax.jit, static_argnames=("N", "E"))
def _sc_ex(aa, src_p, dst_p, N, E):
    EP = src_p.shape[0]
    EPT = EP // (NC * NS)
    mesh = plsc.VectorSubcoreMesh(core_axis_name="c", subcore_axis_name="s")

    @functools.partial(
        pl.kernel,
        out_type=jax.ShapeDtypeStruct((EP,), jnp.float32),
        mesh=mesh,
        compiler_params=_SC_PARAMS,
        scratch_types=[
            pltpu.VMEM((2 * N,), jnp.float32),
            pltpu.VMEM((EXCH,), jnp.int32),
            pltpu.VMEM((EXCH,), jnp.int32),
            pltpu.VMEM((EXCH,), jnp.float32),
        ],
    )
    def k(aa_hbm, src_hbm, dst_hbm, ex_hbm, aa_v, ss_v, sd_v, se_v):
        cid = lax.axis_index("c")
        sid = lax.axis_index("s")
        wid = cid * NS + sid
        pltpu.sync_copy(aa_hbm, aa_v)
        base = wid * EPT

        def chunk(c, carry):
            off = base + c * EXCH
            pltpu.sync_copy(src_hbm.at[pl.ds(off, EXCH)], ss_v)
            pltpu.sync_copy(dst_hbm.at[pl.ds(off, EXCH)], sd_v)
            for j in range(EXCH // LN):
                s16 = ss_v[pl.ds(j * LN, LN)]
                d16 = sd_v[pl.ds(j * LN, LN)]
                d16c = jnp.maximum(d16, 0)
                z = (plsc.load_gather(aa_v, [2 * s16])
                     + plsc.load_gather(aa_v, [2 * d16c + 1]))
                e = jnp.maximum(z, 0.2 * z)
                eid = off + j * LN + lax.iota(jnp.int32, LN)
                se_v[pl.ds(j * LN, LN)] = jnp.where(eid < E, jnp.exp(e), 0.0)
            pltpu.sync_copy(se_v, ex_hbm.at[pl.ds(off, EXCH)])
            return carry

        lax.fori_loop(0, EPT // EXCH, chunk, 0)

    return k(aa, src_p, dst_p)


@functools.partial(jax.jit, static_argnames=("CP",))
def _sc_acc(hx, ex, src_p, dst_p, CP):
    EP = src_p.shape[0]
    EH = EP // NC
    NV = CP // LN
    WKC = WK
    mesh = plsc.VectorSubcoreMesh(core_axis_name="c", subcore_axis_name="s")

    @functools.partial(
        pl.kernel,
        out_type=jax.ShapeDtypeStruct((NC, NS, RPT * CP), jnp.float32),
        mesh=mesh,
        compiler_params=_SC_PARAMS,
        scratch_types=[
            pltpu.VMEM((WSZ,), jnp.int32),
            pltpu.VMEM((WSZ,), jnp.float32),
            pltpu.VMEM((SCH,), jnp.int32),
            pltpu.VMEM((SCH,), jnp.int32),
            pltpu.VMEM((SCH,), jnp.float32),
            pltpu.VMEM((SCH,), jnp.int32),
            pltpu.VMEM((SCH,), jnp.int32),
            pltpu.VMEM((SCH,), jnp.float32),
            pltpu.VMEM((WKC, CP), jnp.float32),
            pltpu.VMEM((WKC, CP), jnp.float32),
            pltpu.VMEM((WKC,), jnp.int32),
            pltpu.VMEM((WKC,), jnp.int32),
            pltpu.VMEM((RPT * CP,), jnp.float32),
            pltpu.SemaphoreType.DMA,
            pltpu.SemaphoreType.DMA,
            pltpu.SemaphoreType.DMA,
            pltpu.SemaphoreType.DMA,
        ],
    )
    def k(hx_hbm, ex_hbm, src_hbm, dst_hbm, u_hbm,
          wlw_v, wle_v, ss0, sd0, se0, ss1, sd1, se1,
          rows0, rows1, sb0, sb1, acc_v, sem0, sem1, sems, semt):
        cid = lax.axis_index("c")
        sid = lax.axis_index("s")
        mybase = sid * RPT
        hb = cid * EH

        zero16 = jnp.zeros((LN,), jnp.float32)

        def zr(g, carry):
            for v in range(NV):
                acc_v[pl.ds(g * CP + v * LN, LN)] = zero16
            return carry

        lax.fori_loop(0, RPT, zr, 0)

        def scan_one(ss, sd, se, cur):
            for j in range(SCH // LN):
                s16 = ss[pl.ds(j * LN, LN)]
                d16 = sd[pl.ds(j * LN, LN)]
                e16 = se[pl.ds(j * LN, LN)]
                dl = d16 - mybase
                m = (dl >= 0) & (dl < RPT)
                w = s16 | (jnp.maximum(dl, 0) << 14)
                plsc.store_compressed(wlw_v.at[pl.ds(cur, LN)], w, mask=m)
                plsc.store_compressed(wle_v.at[pl.ds(cur, LN)], e16, mask=m)
                cur = cur + plsc.all_reduce_population_count(m)[0]
            return jnp.minimum(cur, WCAP)

        NSC = EH // SCH

        def issue_scan(c, ss, sd, se, sem):
            off = hb + jnp.minimum(c, NSC - 1) * SCH
            pltpu.async_copy(src_hbm.at[pl.ds(off, SCH)], ss, sem)
            pltpu.async_copy(dst_hbm.at[pl.ds(off, SCH)], sd, sem)
            pltpu.async_copy(ex_hbm.at[pl.ds(off, SCH)], se, sem)

        def wait_scan(ss, sd, se, sem):
            dummy = src_hbm.at[pl.ds(0, SCH)]
            pltpu.make_async_copy(dummy, ss, sem).wait()
            pltpu.make_async_copy(dummy, sd, sem).wait()
            pltpu.make_async_copy(ex_hbm.at[pl.ds(0, SCH)], se, sem).wait()

        issue_scan(0, ss0, sd0, se0, sems)

        def scan_pair(c2, cur):
            c0 = 2 * c2
            issue_scan(c0 + 1, ss1, sd1, se1, semt)
            wait_scan(ss0, sd0, se0, sems)
            cur = scan_one(ss0, sd0, se0, cur)
            issue_scan(c0 + 2, ss0, sd0, se0, sems)
            wait_scan(ss1, sd1, se1, semt)
            return scan_one(ss1, sd1, se1, cur)

        cur = lax.fori_loop(0, NSC // 2, scan_pair, 0)
        wait_scan(ss0, sd0, se0, sems)

        def ztail(t, carry):
            wlw_v[pl.ds(cur + t * LN, LN)] = jnp.zeros((LN,), jnp.int32)
            wle_v[pl.ds(cur + t * LN, LN)] = zero16
            return carry

        lax.fori_loop(0, 13, ztail, 0)

        def issue(q, sb, rows, sem):
            for g in range(WKC // LN):
                w = wlw_v[pl.ds(q * WKC + g * LN, LN)]
                sb[pl.ds(g * LN, LN)] = w & 16383
            return pltpu.async_copy(hx_hbm.at[sb], rows, sem)

        iota16 = lax.iota(jnp.int32, LN)
        cidxs = [v * LN + iota16 for v in range(NV)]

        lane_splats = [jnp.full((LN,), u, jnp.int32) for u in range(LN)]

        def accum(q, db, rows):
            for g in range(WKC // LN):
                w16 = wlw_v[pl.ds(q * WKC + g * LN, LN)]
                x16 = wle_v[pl.ds(q * WKC + g * LN, LN)]
                a16 = lax.shift_right_logical(w16, 14) * CP
                for h in range(2):
                    avs = [_lane_bcast(a16, lane_splats[h * 8 + u])
                           for u in range(8)]
                    ebs = [_lane_bcast(x16, lane_splats[h * 8 + u])
                           for u in range(8)]
                    for v in range(NV):
                        for u in range(8):
                            kk = g * LN + h * 8 + u
                            val = rows[kk, pl.ds(v * LN, LN)] * ebs[u]
                            plsc.addupdate_scatter(
                                acc_v, [avs[u] + cidxs[v]], val)

        nch2 = (cur + 2 * WKC - 1) // (2 * WKC)
        d0 = issue(0, sb0, rows0, sem0)

        def pair(q2, carry):
            q0 = 2 * q2
            d1 = issue(q0 + 1, sb1, rows1, sem1)
            pltpu.make_async_copy(hx_hbm.at[sb0], rows0, sem0).wait()
            accum(q0, None, rows0)
            issue(q0 + 2, sb0, rows0, sem0)
            pltpu.make_async_copy(hx_hbm.at[sb1], rows1, sem1).wait()
            accum(q0 + 1, None, rows1)
            return carry

        lax.fori_loop(0, nch2, pair, 0)
        pltpu.make_async_copy(hx_hbm.at[sb0], rows0, sem0).wait()

        pltpu.sync_copy(acc_v, u_hbm.at[cid, sid])

    return k(hx, ex, src_p, dst_p)


def kernel(x, edge_index, W1, a_src1, a_dst1, b1, W2, a_src2, a_dst2, b2):
    N = x.shape[0]
    E = edge_index.shape[1]
    C1, P1 = W1.shape[1], 16
    C2, P2 = W2.shape[1], 16

    gran = NC * NS * EXCH
    EP = ((E + gran - 1) // gran) * gran
    pad = EP - E
    src_p = jnp.concatenate([edge_index[0], jnp.zeros((pad,), jnp.int32)])
    dst_p = jnp.concatenate([edge_index[1], -jnp.ones((pad,), jnp.int32)])

    hx1, aa1 = _tc_pre(x, W1, a_src1, a_dst1, C1, P1)
    ex1 = _sc_ex(aa1.reshape(-1), src_p, dst_p, N=N, E=E)
    U1 = _sc_acc(hx1, ex1, src_p, dst_p, CP=C1 + P1)
    U1 = U1.reshape(NC, NS * RPT, C1 + P1)[:, :N]
    hx2, aa2 = _tc_mid(U1, b1, W2, a_src2, a_dst2, C1, P1, C2, P2)
    ex2 = _sc_ex(aa2.reshape(-1), src_p, dst_p, N=N, E=E)
    U2 = _sc_acc(hx2, ex2, src_p, dst_p, CP=C2 + P2)
    U2 = U2.reshape(NC, NS * RPT, C2 + P2)[:, :N]
    return _tc_post(U2, b2, C2, P2)

# --- scband reference (transcript-rebuilt; emitter-appended) ---
"""Pipeline reference for scband-gatnode-classification-7421703487980 (READ-ONLY COPY).

The authoritative reference and input builder live on the scoring server;
editing this copy changes nothing except your own understanding.
"""

import jax, jax.numpy as jnp
import numpy as np


def _gat_conv(x, edge_index, W, a_src, a_dst, b, heads, out_ch):
    N = x.shape[0]
    src = edge_index[0]
    dst = edge_index[1]
    h = (x @ W).reshape(N, heads, out_ch)
    alpha_src = (h * a_src[None, :, :]).sum(-1)  # [N, H]
    alpha_dst = (h * a_dst[None, :, :]).sum(-1)  # [N, H]
    e = alpha_src[src] + alpha_dst[dst]          # [E, H]
    e = jax.nn.leaky_relu(e, negative_slope=0.2)
    m = jax.ops.segment_max(e, dst, num_segments=N)
    ex = jnp.exp(e - m[dst])
    denom = jax.ops.segment_sum(ex, dst, num_segments=N)
    alpha = ex / (denom[dst] + 1e-16)            # [E, H] softmax over incoming edges of dst
    msg = h[src] * alpha[:, :, None]             # [E, H, C]
    out = jax.ops.segment_sum(msg, dst, num_segments=N)  # [N, H, C]
    out = out.reshape(N, heads * out_ch)
    return out + b


def setup_inputs(seed: int = 0):
    key = jax.random.key(seed)
    ks = jax.random.split(key, 10)
    N, E, Fin, H, Hid, Cout = 10000, 320000, 128, 1, 128, 64
    x = jax.random.normal(ks[0], (N, Fin), dtype=jnp.float32)
    edge_index = jax.random.randint(ks[1], (2, E), 0, N, dtype=jnp.int32)
    W1 = jax.random.normal(ks[2], (Fin, H * Hid), dtype=jnp.float32) * 0.1
    a_src1 = jax.random.normal(ks[3], (H, Hid), dtype=jnp.float32) * 0.1
    a_dst1 = jax.random.normal(ks[4], (H, Hid), dtype=jnp.float32) * 0.1
    b1 = jnp.zeros((H * Hid,), dtype=jnp.float32)
    W2 = jax.random.normal(ks[5], (H * Hid, Cout), dtype=jnp.float32) * 0.1
    a_src2 = jax.random.normal(ks[6], (1, Cout), dtype=jnp.float32) * 0.1
    a_dst2 = jax.random.normal(ks[7], (1, Cout), dtype=jnp.float32) * 0.1
    b2 = jnp.zeros((Cout,), dtype=jnp.float32)
    return {"x": x, "edge_index": edge_index, "W1": W1, "a_src1": a_src1,
            "a_dst1": a_dst1, "b1": b1, "W2": W2, "a_src2": a_src2,
            "a_dst2": a_dst2, "b2": b2}


def reference(x, edge_index, W1, a_src1, a_dst1, b1, W2, a_src2, a_dst2, b2):
    h = _gat_conv(x, edge_index, W1, a_src1, a_dst1, b1, heads=1, out_ch=128)
    h = jax.nn.elu(h)
    # dropout is a no-op in eval mode (training=False)
    out = _gat_conv(h, edge_index, W2, a_src2, a_dst2, b2, heads=1, out_ch=64)
    return jax.nn.log_softmax(out, axis=1)

if __name__ == "__main__":
    import jax
    _d = setup_inputs()
    print(jax.jit(kernel)(*tuple(_d.values())))

</pallas_src>

<mosaic_0001>
#map = affine_map<(d0, d1) -> (0)>
module attributes {stable_mosaic.version = 14 : i64} {
  func.func @k(%arg0: i32, %arg1: i32, %arg2: memref<20000xf32, #tpu.memory_space<hbm>>, %arg3: memref<327680xi32, #tpu.memory_space<hbm>>, %arg4: memref<327680xi32, #tpu.memory_space<hbm>>, %arg5: memref<327680xf32, #tpu.memory_space<hbm>>, %arg6: memref<20000xf32, #tpu.memory_space<vmem>>, %arg7: memref<512xi32, #tpu.memory_space<vmem>>, %arg8: memref<512xi32, #tpu.memory_space<vmem>>, %arg9: memref<512xf32, #tpu.memory_space<vmem>>) attributes {dimension_semantics = [#tpu.dimension_semantics<core_parallel>, #tpu.dimension_semantics<subcore_parallel>], iteration_bounds = array<i64: 2, 16>, scalar_prefetch = 0 : i64, scratch_operands = 4 : i64, tpu.core_type = #tpu.core_type<sc_vector_subcore>, window_params = [{transform_indices = #map}, {transform_indices = #map}, {transform_indices = #map}, {transform_indices = #map}]} {
    %mul3A = arith.constant 16 : i32
    %mul3A_0 = arith.muli %arg0, %mul3A : i32
    %add3A = arith.addi %mul3A_0, %arg1 : i32
    "tpu.region"() ({
      %run_scoped3A = tpu.sem_alloc : memref<!tpu.dma_semaphore, #tpu.memory_space<semaphore_mem>>
      tpu.enqueue_dma source(%arg2 : memref<20000xf32, #tpu.memory_space<hbm>>) target(%arg6 : memref<20000xf32, #tpu.memory_space<vmem>>) target_semaphore(%run_scoped3A : memref<!tpu.dma_semaphore, #tpu.memory_space<semaphore_mem>>)
      tpu.wait_dma2 semaphore(%run_scoped3A : memref<!tpu.dma_semaphore, #tpu.memory_space<semaphore_mem>>) src(%arg2 : memref<20000xf32, #tpu.memory_space<hbm>>) dst(%arg6 : memref<20000xf32, #tpu.memory_space<vmem>>)
      tpu.yield
    }) : () -> ()
    %mul3A_1 = arith.constant 10240 : i32
    %mul3A_2 = arith.muli %add3A, %mul3A_1 : i32
    %scan3A = arith.constant 0 : i32
    %scan3A_3 = arith.constant 0 : i32
    %scan3A_4 = arith.constant 20 : i32
    %scan3A_5 = arith.addi %scan3A_3, %scan3A_4 : i32
    %scan3A_6 = arith.constant 1 : i32
    scf.for %scan3A_8 = %scan3A_3 to %scan3A_5 step %scan3A_6  : i32 {
      %mul3A_9 = arith.constant 512 : i32
      %mul3A_10 = arith.muli %scan3A_8, %mul3A_9 : i32
      %add3A_11 = arith.addi %mul3A_2, %mul3A_10 : i32
      "tpu.region"() ({
        %run_scoped3A = tpu.sem_alloc : memref<!tpu.dma_semaphore, #tpu.memory_space<semaphore_mem>>
        %dma_start3A = tpu.memref_slice %arg3[%add3A_11] : memref<327680xi32, #tpu.memory_space<hbm>> -> memref<512xi32, #tpu.memory_space<hbm>>
        %dma_start3A_1186 = tpu.memref_slice %arg3[%add3A_11] : memref<327680xi32, #tpu.memory_space<hbm>> -> memref<512xi32, #tpu.memory_space<hbm>>
        tpu.enqueue_dma source(%dma_start3A_1186 : memref<512xi32, #tpu.memory_space<hbm>>) target(%arg7 : memref<512xi32, #tpu.memory_space<vmem>>) target_semaphore(%run_scoped3A : memref<!tpu.dma_semaphore, #tpu.memory_space<semaphore_mem>>)
        %dma_wait3A = tpu.memref_slice %arg3[%add3A_11] : memref<327680xi32, #tpu.memory_space<hbm>> -> memref<512xi32, #tpu.memory_space<hbm>>
        %dma_wait3A_1187 = tpu.memref_slice %arg3[%add3A_11] : memref<327680xi32, #tpu.memory_space<hbm>> -> memref<512xi32, #tpu.memory_space<hbm>>
        tpu.wait_dma2 semaphore(%run_scoped3A : memref<!tpu.dma_semaphore, #tpu.memory_space<semaphore_mem>>) src(%dma_wait3A_1187 : memref<512xi32, #tpu.memory_space<hbm>>) dst(%arg7 : memref<512xi32, #tpu.memory_space<vmem>>)
        tpu.yield
      }) : () -> ()
      "tpu.region"() ({
        %run_scoped3A = tpu.sem_alloc : memref<!tpu.dma_semaphore, #tpu.memory_space<semaphore_mem>>
        %dma_start3A = tpu.memref_slice %arg4[%add3A_11] : memref<327680xi32, #tpu.memory_space<hbm>> -> memref<512xi32, #tpu.memory_space<hbm>>
        %dma_start3A_1186 = tpu.memref_slice %arg4[%add3A_11] : memref<327680xi32, #tpu.memory_space<hbm>> -> memref<512xi32, #tpu.memory_space<hbm>>
        tpu.enqueue_dma source(%dma_start3A_1186 : memref<512xi32, #tpu.memory_space<hbm>>) target(%arg8 : memref<512xi32, #tpu.memory_space<vmem>>) target_semaphore(%run_scoped3A : memref<!tpu.dma_semaphore, #tpu.memory_space<semaphore_mem>>)
        %dma_wait3A = tpu.memref_slice %arg4[%add3A_11] : memref<327680xi32, #tpu.memory_space<hbm>> -> memref<512xi32, #tpu.memory_space<hbm>>
        %dma_wait3A_1187 = tpu.memref_slice %arg4[%add3A_11] : memref<327680xi32, #tpu.memory_space<hbm>> -> memref<512xi32, #tpu.memory_space<hbm>>
        tpu.wait_dma2 semaphore(%run_scoped3A : memref<!tpu.dma_semaphore, #tpu.memory_space<semaphore_mem>>) src(%dma_wait3A_1187 : memref<512xi32, #tpu.memory_space<hbm>>) dst(%arg8 : memref<512xi32, #tpu.memory_space<vmem>>)
        tpu.yield
      }) : () -> ()
      %get3A = arith.constant 0 : index
      %get3A_12 = tpu.vector_load %arg7[%get3A] {strides = array<i32>} : memref<512xi32, #tpu.memory_space<vmem>>, vector<16xi32>,
      %get3A_13 = arith.constant 0 : index
      %get3A_14 = tpu.vector_load %arg8[%get3A_13] {strides = array<i32>} : memref<512xi32, #tpu.memory_space<vmem>>, vector<16xi32>,
      %max3A = arith.constant 0 : i32
      %max3A_15 = vector.broadcast %max3A : i32 to vector<16xi32>
      %max3A_16 = arith.maxsi %get3A_14, %max3A_15 : vector<16xi32>
      %mul3A_17 = arith.constant 2 : i32
      %mul3A_18 = vector.broadcast %mul3A_17 : i32 to vector<16xi32>
      %mul3A_19 = arith.muli %mul3A_18, %get3A_12 : vector<16xi32>
      %gather3A = tpu.vector_load_idx %arg6[%mul3A_19] : memref<20000xf32, #tpu.memory_space<vmem>>[vector<16xi32>], vector<16xf32>,
      %mul3A_20 = arith.constant 2 : i32
      %mul3A_21 = vector.broadcast %mul3A_20 : i32 to vector<16xi32>
      %mul3A_22 = arith.muli %mul3A_21, %max3A_16 : vector<16xi32>
      %add3A_23 = arith.constant 1 : i32
      %add3A_24 = vector.broadcast %add3A_23 : i32 to vector<16xi32>
      %add3A_25 = arith.addi %mul3A_22, %add3A_24 : vector<16xi32>
      %gather3A_26 = tpu.vector_load_idx %arg6[%add3A_25] : memref<20000xf32, #tpu.memory_space<vmem>>[vector<16xi32>], vector<16xf32>,
      %add3A_27 = arith.addf %gather3A, %gather3A_26 : vector<16xf32>
      %mul3A_28 = arith.constant 2.000000e-01 : f32
      %mul3A_29 = vector.broadcast %mul3A_28 : f32 to vector<16xf32>
      %mul3A_30 = arith.mulf %mul3A_29, %add3A_27 : vector<16xf32>
      %max3A_31 = arith.maximumf %add3A_27, %mul3A_30 : vector<16xf32>
      %add3A_32 = arith.constant 0 : i32
      %add3A_33 = arith.addi %add3A_11, %add3A_32 : i32
      %iota3A = tpu.iota {dimensions = array<i32: 0>} : vector<16xi32>
      %add3A_34 = vector.broadcast %add3A_33 : i32 to vector<16xi32>
      %add3A_35 = arith.addi %add3A_34, %iota3A : vector<16xi32>
      %lt3A = arith.constant 320000 : i32
      %lt3A_36 = vector.broadcast %lt3A : i32 to vector<16xi32>
      %lt3A_37 = arith.cmpi slt, %add3A_35, %lt3A_36 : vector<16xi32>
      %exp3A = math.exp %max3A_31 : vector<16xf32>
      %jit3A = arith.constant 0.000000e+00 : f32
      %broadcast_in_dim3A = vector.broadcast %jit3A : f32 to vector<16xf32>
      %select_n3A = arith.select %lt3A_37, %exp3A, %broadcast_in_dim3A : vector<16xi1>, vector<16xf32>
      %swap3A = arith.constant 0 : index
      %swap3A_38 = tpu.vector_load %arg9[%swap3A] {strides = array<i32>} : memref<512xf32, #tpu.memory_space<vmem>>, vector<16xf32>,
      tpu.vector_store %arg9[%swap3A], %select_n3A {strides = array<i32>} : memref<512xf32, #tpu.memory_space<vmem>>, vector<16xf32>,
      %get3A_39 = arith.constant 16 : index
      %get3A_40 = tpu.vector_load %arg7[%get3A_39] {strides = array<i32>} : memref<512xi32, #tpu.memory_space<vmem>>, vector<16xi32>,
      %get3A_41 = arith.constant 16 : index
      %get3A_42 = tpu.vector_load %arg8[%get3A_41] {strides = array<i32>} : memref<512xi32, #tpu.memory_space<vmem>>, vector<16xi32>,
      %max3A_43 = arith.constant 0 : i32
      %max3A_44 = vector.broadcast %max3A_43 : i32 to vector<16xi32>
      %max3A_45 = arith.maxsi %get3A_42, %max3A_44 : vector<16xi32>
      %mul3A_46 = arith.constant 2 : i32
      %mul3A_47 = vector.broadcast %mul3A_46 : i32 to vector<16xi32>
      %mul3A_48 = arith.muli %mul3A_47, %get3A_40 : vector<16xi32>
      %gather3A_49 = tpu.vector_load_idx %arg6[%mul3A_48] : memref<20000xf32, #tpu.memory_space<vmem>>[vector<16xi32>], vector<16xf32>,
      %mul3A_50 = arith.constant 2 : i32
      %mul3A_51 = vector.broadcast %mul3A_50 : i32 to vector<16xi32>
      %mul3A_52 = arith.muli %mul3A_51, %max3A_45 : vector<16xi32>
      %add3A_53 = arith.constant 1 : i32
      %add3A_54 = vector.broadcast %add3A_53 : i32 to vector<16xi32>
      %add3A_55 = arith.addi %mul3A_52, %add3A_54 : vector<16xi32>
      %gather3A_56 = tpu.vector_load_idx %arg6[%add3A_55] : memref<20000xf32, #tpu.memory_space<vmem>>[vector<16xi32>], vector<16xf32>,
      %add3A_57 = arith.addf %gather3A_49, %gather3A_56 : vector<16xf32>
      %mul3A_58 = arith.constant 2.000000e-01 : f32
      %mul3A_59 = vector.broadcast %mul3A_58 : f32 to vector<16xf32>
      %mul3A_60 = arith.mulf %mul3A_59, %add3A_57 : vector<16xf32>
      %max3A_61 = arith.maximumf %add3A_57, %mul3A_60 : vector<16xf32>
      %add3A_62 = arith.constant 16 : i32
      %add3A_63 = arith.addi %add3A_11, %add3A_62 : i32
      %iota3A_64 = tpu.iota {dimensions = array<i32: 0>} : vector<16xi32>
      %add3A_65 = vector.broadcast %add3A_63 : i32 to vector<16xi32>
      %add3A_66 = arith.addi %add3A_65, %iota3A_64 : vector<16xi32>
      %lt3A_67 = arith.constant 320000 : i32
      %lt3A_68 = vector.broadcast %lt3A_67 : i32 to vector<16xi32>
      %lt3A_69 = arith.cmpi slt, %add3A_66, %lt3A_68 : vector<16xi32>
      %exp3A_70 = math.exp %max3A_61 : vector<16xf32>
      %jit3A_71 = arith.constant 0.000000e+00 : f32
      %broadcast_in_dim3A_72 = vector.broadcast %jit3A_71 : f32 to vector<16xf32>
      %select_n3A_73 = arith.select %lt3A_69, %exp3A_70, %broadcast_in_dim3A_72 : vector<16xi1>, vector<16xf32>
      %swap3A_74 = arith.constant 16 : index
      %swap3A_75 = tpu.vector_load %arg9[%swap3A_74] {strides = array<i32>} : memref<512xf32, #tpu.memory_space<vmem>>, vector<16xf32>,
      tpu.vector_store %arg9[%swap3A_74], %select_n3A_73 {strides = array<i32>} : memref<512xf32, #tpu.memory_space<vmem>>, vector<16xf32>,
      %get3A_76 = arith.constant 32 : index
      %get3A_77 = tpu.vector_load %arg7[%get3A_76] {strides = array<i32>} : memref<512xi32, #tpu.memory_space<vmem>>, vector<16xi32>,
      %get3A_78 = arith.constant 32 : index
      %get3A_79 = tpu.vector_load %arg8[%get3A_78] {strides = array<i32>} : memref<512xi32, #tpu.memory_space<vmem>>, vector<16xi32>,
      %max3A_80 = arith.constant 0 : i32
      %max3A_81 = vector.broadcast %max3A_80 : i32 to vector<16xi32>
      %max3A_82 = arith.maxsi %get3A_79, %max3A_81 : vector<16xi32>
      %mul3A_83 = arith.constant 2 : i32
      %mul3A_84 = vector.broadcast %mul3A_83 : i32 to vector<16xi32>
      %mul3A_85 = arith.muli %mul3A_84, %get3A_77 : vector<16xi32>
      %gather3A_86 = tpu.vector_load_idx %arg6[%mul3A_85] : memref<20000xf32, #tpu.memory_space<vmem>>[vector<16xi32>], vector<16xf32>,
      %mul3A_87 = arith.constant 2 : i32
      %mul3A_88 = vector.broadcast %mul3A_87 : i32 to vector<16xi32>
      %mul3A_89 = arith.muli %mul3A_88, %max3A_82 : vector<16xi32>
      %add3A_90 = arith.constant 1 : i32
      %add3A_91 = vector.broadcast %add3A_90 : i32 to vector<16xi32>
      %add3A_92 = arith.addi %mul3A_89, %add3A_91 : vector<16xi32>
      %gather3A_93 = tpu.vector_load_idx %arg6[%add3A_92] : memref<20000xf32, #tpu.memory_space<vmem>>[vector<16xi32>], vector<16xf32>,
      %add3A_94 = arith.addf %gather3A_86, %gather3A_93 : vector<16xf32>
      %mul3A_95 = arith.constant 2.000000e-01 : f32
      %mul3A_96 = vector.broadcast %mul3A_95 : f32 to vector<16xf32>
      %mul3A_97 = arith.mulf %mul3A_96, %add3A_94 : vector<16xf32>
      %max3A_98 = arith.maximumf %add3A_94, %mul3A_97 : vector<16xf32>
      %add3A_99 = arith.constant 32 : i32
      %add3A_100 = arith.addi %add3A_11, %add3A_99 : i32
      %iota3A_101 = tpu.iota {dimensions = array<i32: 0>} : vector<16xi32>
      %add3A_102 = vector.broadcast %add3A_100 : i32 to vector<16xi32>
      %add3A_103 = arith.addi %add3A_102, %iota3A_101 : vector<16xi32>
      %lt3A_104 = arith.constant 320000 : i32
      %lt3A_105 = vector.broadcast %lt3A_104 : i32 to vector<16xi32>
      %lt3A_106 = arith.cmpi slt, %add3A_103, %lt3A_105 : vector<16xi32>
      %exp3A_107 = math.exp %max3A_98 : vector<16xf32>
      %jit3A_108 = arith.constant 0.000000e+00 : f32
      %broadcast_in_dim3A_109 = vector.broadcast %jit3A_108 : f32 to vector<16xf32>
      %select_n3A_110 = arith.select %lt3A_106, %exp3A_107, %broadcast_in_dim3A_109 : vector<16xi1>, vector<16xf32>
      %swap3A_111 = arith.constant 32 : index
      %swap3A_112 = tpu.vector_load %arg9[%swap3A_111] {strides = array<i32>} : memref<512xf32, #tpu.memory_space<vmem>>, vector<16xf32>,
      tpu.vector_store %arg9[%swap3A_111], %select_n3A_110 {strides = array<i32>} : memref<512xf32, #tpu.memory_space<vmem>>, vector<16xf32>,
      %get3A_113 = arith.constant 48 : index
      %get3A_114 = tpu.vector_load %arg7[%get3A_113] {strides = array<i32>} : memref<512xi32, #tpu.memory_space<vmem>>, vector<16xi32>,
      %get3A_115 = arith.constant 48 : index
      %get3A_116 = tpu.vector_load %arg8[%get3A_115] {strides = array<i32>} : memref<512xi32, #tpu.memory_space<vmem>>, vector<16xi32>,
      %max3A_117 = arith.constant 0 : i32
      %max3A_118 = vector.broadcast %max3A_117 : i32 to vector<16xi32>
      %max3A_119 = arith.maxsi %get3A_116, %max3A_118 : vector<16xi32>
      %mul3A_120 = arith.constant 2 : i32
      %mul3A_121 = vector.broadcast %mul3A_120 : i32 to vector<16xi32>
      %mul3A_122 = arith.muli %mul3A_121, %get3A_114 : vector<16xi32>
      %gather3A_123 = tpu.vector_load_idx %arg6[%mul3A_122] : memref<20000xf32, #tpu.memory_space<vmem>>[vector<16xi32>], vector<16xf32>,
      %mul3A_124 = arith.constant 2 : i32
      %mul3A_125 = vector.broadcast %mul3A_124 : i32 to vector<16xi32>
      %mul3A_126 = arith.muli %mul3A_125, %max3A_119 : vector<16xi32>
      %add3A_127 = arith.constant 1 : i32
      %add3A_128 = vector.broadcast %add3A_127 : i32 to vector<16xi32>
      %add3A_129 = arith.addi %mul3A_126, %add3A_128 : vector<16xi32>
      %gather3A_130 = tpu.vector_load_idx %arg6[%add3A_129] : memref<20000xf32, #tpu.memory_space<vmem>>[vector<16xi32>], vector<16xf32>,
      %add3A_131 = arith.addf %gather3A_123, %gather3A_130 : vector<16xf32>
      %mul3A_132 = arith.constant 2.000000e-01 : f32
      %mul3A_133 = vector.broadcast %mul3A_132 : f32 to vector<16xf32>
      %mul3A_134 = arith.mulf %mul3A_133, %add3A_131 : vector<16xf32>
      %max3A_135 = arith.maximumf %add3A_131, %mul3A_134 : vector<16xf32>
      %add3A_136 = arith.constant 48 : i32
      %add3A_137 = arith.addi %add3A_11, %add3A_136 : i32
      %iota3A_138 = tpu.iota {dimensions = array<i32: 0>} : vector<16xi32>
      %add3A_139 = vector.broadcast %add3A_137 : i32 to vector<16xi32>
      %add3A_140 = arith.addi %add3A_139, %iota3A_138 : vector<16xi32>
      %lt3A_141 = arith.constant 320000 : i32
      %lt3A_142 = vector.broadcast %lt3A_141 : i32 to vector<16xi32>
      %lt3A_143 = arith.cmpi slt, %add3A_140, %lt3A_142 : vector<16xi32>
      %exp3A_144 = math.exp %max3A_135 : vector<16xf32>
      %jit3A_145 = arith.constant 0.000000e+00 : f32
      %broadcast_in_dim3A_146 = vector.broadcast %jit3A_145 : f32 to vector<16xf32>
      %select_n3A_147 = arith.select %lt3A_143, %exp3A_144, %broadcast_in_dim3A_146 : vector<16xi1>, vector<16xf32>
      %swap3A_148 = arith.constant 48 : index
      %swap3A_149 = tpu.vector_load %arg9[%swap3A_148] {strides = array<i32>} : memref<512xf32, #tpu.memory_space<vmem>>, vector<16xf32>,
      tpu.vector_store %arg9[%swap3A_148], %select_n3A_147 {strides = array<i32>} : memref<512xf32, #tpu.memory_space<vmem>>, vector<16xf32>,
      %get3A_150 = arith.constant 64 : index
      %get3A_151 = tpu.vector_load %arg7[%get3A_150] {strides = array<i32>} : memref<512xi32, #tpu.memory_space<vmem>>, vector<16xi32>,
      %get3A_152 = arith.constant 64 : index
      %get3A_153 = tpu.vector_load %arg8[%get3A_152] {strides = array<i32>} : memref<512xi32, #tpu.memory_space<vmem>>, vector<16xi32>,
      %max3A_154 = arith.constant 0 : i32
      %max3A_155 = vector.broadcast %max3A_154 : i32 to vector<16xi32>
      %max3A_156 = arith.maxsi %get3A_153, %max3A_155 : vector<16xi32>
      %mul3A_157 = arith.constant 2 : i32
      %mul3A_158 = vector.broadcast %mul3A_157 : i32 to vector<16xi32>
      %mul3A_159 = arith.muli %mul3A_158, %get3A_151 : vector<16xi32>
      %gather3A_160 = tpu.vector_load_idx %arg6[%mul3A_159] : memref<20000xf32, #tpu.memory_space<vmem>>[vector<16xi32>], vector<16xf32>,
      %mul3A_161 = arith.constant 2 : i32
      %mul3A_162 = vector.broadcast %mul3A_161 : i32 to vector<16xi32>
      %mul3A_163 = arith.muli %mul3A_162, %max3A_156 : vector<16xi32>
      %add3A_164 = arith.constant 1 : i32
      %add3A_165 = vector.broadcast %add3A_164 : i32 to vector<16xi32>
      %add3A_166 = arith.addi %mul3A_163, %add3A_165 : vector<16xi32>
      %gather3A_167 = tpu.vector_load_idx %arg6[%add3A_166] : memref<20000xf32, #tpu.memory_space<vmem>>[vector<16xi32>], vector<16xf32>,
      %add3A_168 = arith.addf %gather3A_160, %gather3A_167 : vector<16xf32>
      %mul3A_169 = arith.constant 2.000000e-01 : f32
      %mul3A_170 = vector.broadcast %mul3A_169 : f32 to vector<16xf32>
      %mul3A_171 = arith.mulf %mul3A_170, %add3A_168 : vector<16xf32>
      %max3A_172 = arith.maximumf %add3A_168, %mul3A_171 : vector<16xf32>
      %add3A_173 = arith.constant 64 : i32
      %add3A_174 = arith.addi %add3A_11, %add3A_173 : i32
      %iota3A_175 = tpu.iota {dimensions = array<i32: 0>} : vector<16xi32>
      %add3A_176 = vector.broadcast %add3A_174 : i32 to vector<16xi32>
      %add3A_177 = arith.addi %add3A_176, %iota3A_175 : vector<16xi32>
      %lt3A_178 = arith.constant 320000 : i32
      %lt3A_179 = vector.broadcast %lt3A_178 : i32 to vector<16xi32>
      %lt3A_180 = arith.cmpi slt, %add3A_177, %lt3A_179 : vector<16xi32>
      %exp3A_181 = math.exp %max3A_172 : vector<16xf32>
      %jit3A_182 = arith.constant 0.000000e+00 : f32
      %broadcast_in_dim3A_183 = vector.broadcast %jit3A_182 : f32 to vector<16xf32>
      %select_n3A_184 = arith.select %lt3A_180, %exp3A_181, %broadcast_in_dim3A_183 : vector<16xi1>, vector<16xf32>
      %swap3A_185 = arith.constant 64 : index
      %swap3A_186 = tpu.vector_load %arg9[%swap3A_185] {strides = array<i32>} : memref<512xf32, #tpu.memory_space<vmem>>, vector<16xf32>,
      tpu.vector_store %arg9[%swap3A_185], %select_n3A_184 {strides = array<i32>} : memref<512xf32, #tpu.memory_space<vmem>>, vector<16xf32>,
      %get3A_187 = arith.constant 80 : index
      %get3A_188 = tpu.vector_load %arg7[%get3A_187] {strides = array<i32>} : memref<512xi32, #tpu.memory_space<vmem>>, vector<16xi32>,
      %get3A_189 = arith.constant 80 : index
      %get3A_190 = tpu.vector_load %arg8[%get3A_189] {strides = array<i32>} : memref<512xi32, #tpu.memory_space<vmem>>, vector<16xi32>,
      %max3A_191 = arith.constant 0 : i32
      %max3A_192 = vector.broadcast %max3A_191 : i32 to vector<16xi32>
      %max3A_193 = arith.maxsi %get3A_190, %max3A_192 : vector<16xi32>
      %mul3A_194 = arith.constant 2 : i32
      %mul3A_195 = vector.broadcast %mul3A_194 : i32 to vector<16xi32>
      %mul3A_196 = arith.muli %mul3A_195, %get3A_188 : vector<16xi32>
      %gather3A_197 = tpu.vector_load_idx %arg6[%mul3A_196] : memref<20000xf32, #tpu.memory_space<vmem>>[vector<16xi32>], vector<16xf32>,
      %mul3A_198 = arith.constant 2 : i32
      %mul3A_199 = vector.broadcast %mul3A_198 : i32 to vector<16xi32>
      %mul3A_200 = arith.muli %mul3A_199, %max3A_193 : vector<16xi32>
      %add3A_201 = arith.constant 1 : i32
      %add3A_202 = vector.broadcast %add3A_201 : i32 to vector<16xi32>
      %add3A_203 = arith.addi %mul3A_200, %add3A_202 : vector<16xi32>
      %gather3A_204 = tpu.vector_load_idx %arg6[%add3A_203] : memref<20000xf32, #tpu.memory_space<vmem>>[vector<16xi32>], vector<16xf32>,
      %add3A_205 = arith.addf %gather3A_197, %gather3A_204 : vector<16xf32>
      %mul3A_206 = arith.constant 2.000000e-01 : f32
      %mul3A_207 = vector.broadcast %mul3A_206 : f32 to vector<16xf32>
      %mul3A_208 = arith.mulf %mul3A_207, %add3A_205 : vector<16xf32>
      %max3A_209 = arith.maximumf %add3A_205, %mul3A_208 : vector<16xf32>
      %add3A_210 = arith.constant 80 : i32
      %add3A_211 = arith.addi %add3A_11, %add3A_210 : i32
      %iota3A_212 = tpu.iota {dimensions = array<i32: 0>} : vector<16xi32>
      %add3A_213 = vector.broadcast %add3A_211 : i32 to vector<16xi32>
      %add3A_214 = arith.addi %add3A_213, %iota3A_212 : vector<16xi32>
      %lt3A_215 = arith.constant 320000 : i32
      %lt3A_216 = vector.broadcast %lt3A_215 : i32 to vector<16xi32>
      %lt3A_217 = arith.cmpi slt, %add3A_214, %lt3A_216 : vector<16xi32>
      %exp3A_218 = math.exp %max3A_209 : vector<16xf32>
      %jit3A_219 = arith.constant 0.000000e+00 : f32
      %broadcast_in_dim3A_220 = vector.broadcast %jit3A_219 : f32 to vector<16xf32>
      %select_n3A_221 = arith.select %lt3A_217, %exp3A_218, %broadcast_in_dim3A_220 : vector<16xi1>, vector<16xf32>
      %swap3A_222 = arith.constant 80 : index
      %swap3A_223 = tpu.vector_load %arg9[%swap3A_222] {strides = array<i32>} : memref<512xf32, #tpu.memory_space<vmem>>, vector<16xf32>,
      tpu.vector_store %arg9[%swap3A_222], %select_n3A_221 {strides = array<i32>} : memref<512xf32, #tpu.memory_space<vmem>>, vector<16xf32>,
      %get3A_224 = arith.constant 96 : index
      %get3A_225 = tpu.vector_load %arg7[%get3A_224] {strides = array<i32>} : memref<512xi32, #tpu.memory_space<vmem>>, vector<16xi32>,
      %get3A_226 = arith.constant 96 : index
      %get3A_227 = tpu.vector_load %arg8[%get3A_226] {strides = array<i32>} : memref<512xi32, #tpu.memory_space<vmem>>, vector<16xi32>,
      %max3A_228 = arith.constant 0 : i32
      %max3A_229 = vector.broadcast %max3A_228 : i32 to vector<16xi32>
      %max3A_230 = arith.maxsi %get3A_227, %max3A_229 : vector<16xi32>
      %mul3A_231 = arith.constant 2 : i32
      %mul3A_232 = vector.broadcast %mul3A_231 : i32 to vector<16xi32>
      %mul3A_233 = arith.muli %mul3A_232, %get3A_225 : vector<16xi32>
      %gather3A_234 = tpu.vector_load_idx %arg6[%mul3A_233] : memref<20000xf32, #tpu.memory_space<vmem>>[vector<16xi32>], vector<16xf32>,
      %mul3A_235 = arith.constant 2 : i32
      %mul3A_236 = vector.broadcast %mul3A_235 : i32 to vector<16xi32>
      %mul3A_237 = arith.muli %mul3A_236, %max3A_230 : vector<16xi32>
      %add3A_238 = arith.constant 1 : i32
      %add3A_239 = vector.broadcast %add3A_238 : i32 to vector<16xi32>
      %add3A_240 = arith.addi %mul3A_237, %add3A_239 : vector<16xi32>
      %gather3A_241 = tpu.vector_load_idx %arg6[%add3A_240] : memref<20000xf32, #tpu.memory_space<vmem>>[vector<16xi32>], vector<16xf32>,
      %add3A_242 = arith.addf %gather3A_234, %gather3A_241 : vector<16xf32>
      %mul3A_243 = arith.constant 2.000000e-01 : f32
      %mul3A_244 = vector.broadcast %mul3A_243 : f32 to vector<16xf32>
      %mul3A_245 = arith.mulf %mul3A_244, %add3A_242 : vector<16xf32>
      %max3A_246 = arith.maximumf %add3A_242, %mul3A_245 : vector<16xf32>
      %add3A_247 = arith.constant 96 : i32
      %add3A_248 = arith.addi %add3A_11, %add3A_247 : i32
      %iota3A_249 = tpu.iota {dimensions = array<i32: 0>} : vector<16xi32>
      %add3A_250 = vector.broadcast %add3A_248 : i32 to vector<16xi32>
      %add3A_251 = arith.addi %add3A_250, %iota3A_249 : vector<16xi32>
      %lt3A_252 = arith.constant 320000 : i32
      %lt3A_253 = vector.broadcast %lt3A_252 : i32 to vector<16xi32>
      %lt3A_254 = arith.cmpi slt, %add3A_251, %lt3A_253 : vector<16xi32>
      %exp3A_255 = math.exp %max3A_246 : vector<16xf32>
      %jit3A_256 = arith.constant 0.000000e+00 : f32
      %broadcast_in_dim3A_257 = vector.broadcast %jit3A_256 : f32 to vector<16xf32>
      %select_n3A_258 = arith.select %lt3A_254, %exp3A_255, %broadcast_in_dim3A_257 : vector<16xi1>, vector<16xf32>
      %swap3A_259 = arith.constant 96 : index
      %swap3A_260 = tpu.vector_load %arg9[%swap3A_259] {strides = array<i32>} : memref<512xf32, #tpu.memory_space<vmem>>, vector<16xf32>,
      tpu.vector_store %arg9[%swap3A_259], %select_n3A_258 {strides = array<i32>} : memref<512xf32, #tpu.memory_space<vmem>>, vector<16xf32>,
      %get3A_261 = arith.constant 112 : index
      %get3A_262 = tpu.vector_load %arg7[%get3A_261] {strides = array<i32>} : memref<512xi32, #tpu.memory_space<vmem>>, vector<16xi32>,
      %get3A_263 = arith.constant 112 : index
      %get3A_264 = tpu.vector_load %arg8[%get3A_263] {strides = array<i32>} : memref<512xi32, #tpu.memory_space<vmem>>, vector<16xi32>,
      %max3A_265 = arith.constant 0 : i32
      %max3A_266 = vector.broadcast %max3A_265 : i32 to vector<16xi32>
      %max3A_267 = arith.maxsi %get3A_264, %max3A_266 : vector<16xi32>
      %mul3A_268 = arith.constant 2 : i32
      %mul3A_269 = vector.broadcast %mul3A_268 : i32 to vector<16xi32>
      %mul3A_270 = arith.muli %mul3A_269, %get3A_262 : vector<16xi32>
      %gather3A_271 = tpu.vector_load_idx %arg6[%mul3A_270] : memref<20000xf32, #tpu.memory_space<vmem>>[vector<16xi32>], vector<16xf32>,
      %mul3A_272 = arith.constant 2 : i32
      %mul3A_273 = vector.broadcast %mul3A_272 : i32 to vector<16xi32>
      %mul3A_274 = arith.muli %mul3A_273, %max3A_267 : vector<16xi32>
      %add3A_275 = arith.constant 1 : i32
      %add3A_276 = vector.broadcast %add3A_275 : i32 to vector<16xi32>
      %add3A_277 = arith.addi %mul3A_274, %add3A_276 : vector<16xi32>
      %gather3A_278 = tpu.vector_load_idx %arg6[%add3A_277] : memref<20000xf32, #tpu.memory_space<vmem>>[vector<16xi32>], vector<16xf32>,
      %add3A_279 = arith.addf %gather3A_271, %gather3A_278 : vector<16xf32>
      %mul3A_280 = arith.constant 2.000000e-01 : f32
      %mul3A_281 = vector.broadcast %mul3A_280 : f32 to vector<16xf32>
      %mul3A_282 = arith.mulf %mul3A_281, %add3A_279 : vector<16xf32>
      %max3A_283 = arith.maximumf %add3A_279, %mul3A_282 : vector<16xf32>
      %add3A_284 = arith.constant 112 : i32
      %add3A_285 = arith.addi %add3A_11, %add3A_284 : i32
      %iota3A_286 = tpu.iota {dimensions = array<i32: 0>} : vector<16xi32>
      %add3A_287 = vector.broadcast %add3A_285 : i32 to vector<16xi32>
      %add3A_288 = arith.addi %add3A_287, %iota3A_286 : vector<16xi32>
      %lt3A_289 = arith.constant 320000 : i32
      %lt3A_290 = vector.broadcast %lt3A_289 : i32 to vector<16xi32>
      %lt3A_291 = arith.cmpi slt, %add3A_288, %lt3A_290 : vector<16xi32>
      %exp3A_292 = math.exp %max3A_283 : vector<16xf32>
      %jit3A_293 = arith.constant 0.000000e+00 : f32
      %broadcast_in_dim3A_294 = vector.broadcast %jit3A_293 : f32 to vector<16xf32>
      %select_n3A_295 = arith.select %lt3A_291, %exp3A_292, %broadcast_in_dim3A_294 : vector<16xi1>, vector<16xf32>
      %swap3A_296 = arith.constant 112 : index
      %swap3A_297 = tpu.vector_load %arg9[%swap3A_296] {strides = array<i32>} : memref<512xf32, #tpu.memory_space<vmem>>, vector<16xf32>,
      tpu.vector_store %arg9[%swap3A_296], %select_n3A_295 {strides = array<i32>} : memref<512xf32, #tpu.memory_space<vmem>>, vector<16xf32>,
      %get3A_298 = arith.constant 128 : index
      %get3A_299 = tpu.vector_load %arg7[%get3A_298] {strides = array<i32>} : memref<512xi32, #tpu.memory_space<vmem>>, vector<16xi32>,
      %get3A_300 = arith.constant 128 : index
      %get3A_301 = tpu.vector_load %arg8[%get3A_300] {strides = array<i32>} : memref<512xi32, #tpu.memory_space<vmem>>, vector<16xi32>,
      %max3A_302 = arith.constant 0 : i32
      %max3A_303 = vector.broadcast %max3A_302 : i32 to vector<16xi32>
      %max3A_304 = arith.maxsi %get3A_301, %max3A_303 : vector<16xi32>
      %mul3A_305 = arith.constant 2 : i32
      %mul3A_306 = vector.broadcast %mul3A_305 : i32 to vector<16xi32>
      %mul3A_307 = arith.muli %mul3A_306, %get3A_299 : vector<16xi32>
      %gather3A_308 = tpu.vector_load_idx %arg6[%mul3A_307] : memref<20000xf32, #tpu.memory_space<vmem>>[vector<16xi32>], vector<16xf32>,
      %mul3A_309 = arith.constant 2 : i32
      %mul3A_310 = vector.broadcast %mul3A_309 : i32 to vector<16xi32>
      %mul3A_311 = arith.muli %mul3A_310, %max3A_304 : vector<16xi32>
      %add3A_312 = arith.constant 1 : i32
      %add3A_313 = vector.broadcast %add3A_312 : i32 to vector<16xi32>
      %add3A_314 = arith.addi %mul3A_311, %add3A_313 : vector<16xi32>
      %gather3A_315 = tpu.vector_load_idx %arg6[%add3A_314] : memref<20000xf32, #tpu.memory_space<vmem>>[vector<16xi32>], vector<16xf32>,
      %add3A_316 = arith.addf %gather3A_308, %gather3A_315 : vector<16xf32>
      %mul3A_317 = arith.constant 2.000000e-01 : f32
      %mul3A_318 = vector.broadcast %mul3A_317 : f32 to vector<16xf32>
      %mul3A_319 = arith.mulf %mul3A_318, %add3A_316 : vector<16xf32>
      %max3A_320 = arith.maximumf %add3A_316, %mul3A_319 : vector<16xf32>
      %add3A_321 = arith.constant 128 : i32
      %add3A_322 = arith.addi %add3A_11, %add3A_321 : i32
      %iota3A_323 = tpu.iota {dimensions = array<i32: 0>} : vector<16xi32>
      %add3A_324 = vector.broadcast %add3A_322 : i32 to vector<16xi32>
      %add3A_325 = arith.addi %add3A_324, %iota3A_323 : vector<16xi32>
      %lt3A_326 = arith.constant 320000 : i32
      %lt3A_327 = vector.broadcast %lt3A_326 : i32 to vector<16xi32>
      %lt3A_328 = arith.cmpi slt, %add3A_325, %lt3A_327 : vector<16xi32>
      %exp3A_329 = math.exp %max3A_320 : vector<16xf32>
      %jit3A_330 = arith.constant 0.000000e+00 : f32
      %broadcast_in_dim3A_331 = vector.broadcast %jit3A_330 : f32 to vector<16xf32>
      %select_n3A_332 = arith.select %lt3A_328, %exp3A_329, %broadcast_in_dim3A_331 : vector<16xi1>, vector<16xf32>
      %swap3A_333 = arith.constant 128 : index
      %swap3A_334 = tpu.vector_load %arg9[%swap3A_333] {strides = array<i32>} : memref<512xf32, #tpu.memory_space<vmem>>, vector<16xf32>,
      tpu.vector_store %arg9[%swap3A_333], %select_n3A_332 {strides = array<i32>} : memref<512xf32, #tpu.memory_space<vmem>>, vector<16xf32>,
      %get3A_335 = arith.constant 144 : index
      %get3A_336 = tpu.vector_load %arg7[%get3A_335] {strides = array<i32>} : memref<512xi32, #tpu.memory_space<vmem>>, vector<16xi32>,
      %get3A_337 = arith.constant 144 : index
      %get3A_338 = tpu.vector_load %arg8[%get3A_337] {strides = array<i32>} : memref<512xi32, #tpu.memory_space<vmem>>, vector<16xi32>,
      %max3A_339 = arith.constant 0 : i32
      %max3A_340 = vector.broadcast %max3A_339 : i32 to vector<16xi32>
      %max3A_341 = arith.maxsi %get3A_338, %max3A_340 : vector<16xi32>
      %mul3A_342 = arith.constant 2 : i32
      %mul3A_343 = vector.broadcast %mul3A_342 : i32 to vector<16xi32>
      %mul3A_344 = arith.muli %mul3A_343, %get3A_336 : vector<16xi32>
      %gather3A_345 = tpu.vector_load_idx %arg6[%mul3A_344] : memref<20000xf32, #tpu.memory_space<vmem>>[vector<16xi32>], vector<16xf32>,
      %mul3A_346 = arith.constant 2 : i32
      %mul3A_347 = vector.broadcast %mul3A_346 : i32 to vector<16xi32>
      %mul3A_348 = arith.muli %mul3A_347, %max3A_341 : vector<16xi32>
      %add3A_349 = arith.constant 1 : i32
      %add3A_350 = vector.broadcast %add3A_349 : i32 to vector<16xi32>
      %add3A_351 = arith.addi %mul3A_348, %add3A_350 : vector<16xi32>
      %gather3A_352 = tpu.vector_load_idx %arg6[%add3A_351] : memref<20000xf32, #tpu.memory_space<vmem>>[vector<16xi32>], vector<16xf32>,
      %add3A_353 = arith.addf %gather3A_345, %gather3A_352 : vector<16xf32>
      %mul3A_354 = arith.constant 2.000000e-01 : f32
      %mul3A_355 = vector.broadcast %mul3A_354 : f32 to vector<16xf32>
      %mul3A_356 = arith.mulf %mul3A_355, %add3A_353 : vector<16xf32>
      %max3A_357 = arith.maximumf %add3A_353, %mul3A_356 : vector<16xf32>
      %add3A_358 = arith.constant 144 : i32
      %add3A_359 = arith.addi %add3A_11, %add3A_358 : i32
      %iota3A_360 = tpu.iota {dimensions = array<i32: 0>} : vector<16xi32>
      %add3A_361 = vector.broadcast %add3A_359 : i32 to vector<16xi32>
      %add3A_362 = arith.addi %add3A_361, %iota3A_360 : vector<16xi32>
      %lt3A_363 = arith.constant 320000 : i32
      %lt3A_364 = vector.broadcast %lt3A_363 : i32 to vector<16xi32>
      %lt3A_365 = arith.cmpi slt, %add3A_362, %lt3A_364 : vector<16xi32>
      %exp3A_366 = math.exp %max3A_357 : vector<16xf32>
      %jit3A_367 = arith.constant 0.000000e+00 : f32
      %broadcast_in_dim3A_368 = vector.broadcast %jit3A_367 : f32 to vector<16xf32>
      %select_n3A_369 = arith.select %lt3A_365, %exp3A_366, %broadcast_in_dim3A_368 : vector<16xi1>, vector<16xf32>
      %swap3A_370 = arith.constant 144 : index
      %swap3A_371 = tpu.vector_load %arg9[%swap3A_370] {strides = array<i32>} : memref<512xf32, #tpu.memory_space<vmem>>, vector<16xf32>,
      tpu.vector_store %arg9[%swap3A_370], %select_n3A_369 {strides = array<i32>} : memref<512xf32, #tpu.memory_space<vmem>>, vector<16xf32>,
      %get3A_372 = arith.constant 160 : index
      %get3A_373 = tpu.vector_load %arg7[%get3A_372] {strides = array<i32>} : memref<512xi32, #tpu.memory_space<vmem>>, vector<16xi32>,
      %get3A_374 = arith.constant 160 : index
      %get3A_375 = tpu.vector_load %arg8[%get3A_374] {strides = array<i32>} : memref<512xi32, #tpu.memory_space<vmem>>, vector<16xi32>,
      %max3A_376 = arith.constant 0 : i32
      %max3A_377 = vector.broadcast %max3A_376 : i32 to vector<16xi32>
      %max3A_378 = arith.maxsi %get3A_375, %max3A_377 : vector<16xi32>
      %mul3A_379 = arith.constant 2 : i32
      %mul3A_380 = vector.broadcast %mul3A_379 : i32 to vector<16xi32>
      %mul3A_381 = arith.muli %mul3A_380, %get3A_373 : vector<16xi32>
      %gather3A_382 = tpu.vector_load_idx %arg6[%mul3A_381] : memref<20000xf32, #tpu.memory_space<vmem>>[vector<16xi32>], vector<16xf32>,
      %mul3A_383 = arith.constant 2 : i32
      %mul3A_384 = vector.broadcast %mul3A_383 : i32 to vector<16xi32>
      %mul3A_385 = arith.muli %mul3A_384, %max3A_378 : vector<16xi32>
      %add3A_386 = arith.constant 1 : i32
      %add3A_387 = vector.broadcast %add3A_386 : i32 to vector<16xi32>
      %add3A_388 = arith.addi %mul3A_385, %add3A_387 : vector<16xi32>
      %gather3A_389 = tpu.vector_load_idx %arg6[%add3A_388] : memref<20000xf32, #tpu.memory_space<vmem>>[vector<16xi32>], vector<16xf32>,
      %add3A_390 = arith.addf %gather3A_382, %gather3A_389 : vector<16xf32>
      %mul3A_391 = arith.constant 2.000000e-01 : f32
      %mul3A_392 = vector.broadcast %mul3A_391 : f32 to vector<16xf32>
      %mul3A_393 = arith.mulf %mul3A_392, %add3A_390 : vector<16xf32>
      %max3A_394 = arith.maximumf %add3A_390, %mul3A_393 : vector<16xf32>
      %add3A_395 = arith.constant 160 : i32
      %add3A_396 = arith.addi %add3A_11, %add3A_395 : i32
      %iota3A_397 = tpu.iota {dimensions = array<i32: 0>} : vector<16xi32>
      %add3A_398 = vector.broadcast %add3A_396 : i32 to vector<16xi32>
      %add3A_399 = arith.addi %add3A_398, %iota3A_397 : vector<16xi32>
      %lt3A_400 = arith.constant 320000 : i32
      %lt3A_401 = vector.broadcast %lt3A_400 : i32 to vector<16xi32>
      %lt3A_402 = arith.cmpi slt, %add3A_399, %lt3A_401 : vector<16xi32>
      %exp3A_403 = math.exp %max3A_394 : vector<16xf32>
      %jit3A_404 = arith.constant 0.000000e+00 : f32
      %broadcast_in_dim3A_405 = vector.broadcast %jit3A_404 : f32 to vector<16xf32>
      %select_n3A_406 = arith.select %lt3A_402, %exp3A_403, %broadcast_in_dim3A_405 : vector<16xi1>, vector<16xf32>
      %swap3A_407 = arith.constant 160 : index
      %swap3A_408 = tpu.vector_load %arg9[%swap3A_407] {strides = array<i32>} : memref<512xf32, #tpu.memory_space<vmem>>, vector<16xf32>,
      tpu.vector_store %arg9[%swap3A_407], %select_n3A_406 {strides = array<i32>} : memref<512xf32, #tpu.memory_space<vmem>>, vector<16xf32>,
      %get3A_409 = arith.constant 176 : index
      %get3A_410 = tpu.vector_load %arg7[%get3A_409] {strides = array<i32>} : memref<512xi32, #tpu.memory_space<vmem>>, vector<16xi32>,
      %get3A_411 = arith.constant 176 : index
      %get3A_412 = tpu.vector_load %arg8[%get3A_411] {strides = array<i32>} : memref<512xi32, #tpu.memory_space<vmem>>, vector<16xi32>,
      %max3A_413 = arith.constant 0 : i32
      %max3A_414 = vector.broadcast %max3A_413 : i32 to vector<16xi32>
      %max3A_415 = arith.maxsi %get3A_412, %max3A_414 : vector<16xi32>
      %mul3A_416 = arith.constant 2 : i32
      %mul3A_417 = vector.broadcast %mul3A_416 : i32 to vector<16xi32>
      %mul3A_418 = arith.muli %mul3A_417, %get3A_410 : vector<16xi32>
      %gather3A_419 = tpu.vector_load_idx %arg6[%mul3A_418] : memref<20000xf32, #tpu.memory_space<vmem>>[vector<16xi32>], vector<16xf32>,
      %mul3A_420 = arith.constant 2 : i32
      %mul3A_421 = vector.broadcast %mul3A_420 : i32 to vector<16xi32>
      %mul3A_422 = arith.muli %mul3A_421, %max3A_415 : vector<16xi32>
      %add3A_423 = arith.constant 1 : i32
      %add3A_424 = vector.broadcast %add3A_423 : i32 to vector<16xi32>
      %add3A_425 = arith.addi %mul3A_422, %add3A_424 : vector<16xi32>
      %gather3A_426 = tpu.vector_load_idx %arg6[%add3A_425] : memref<20000xf32, #tpu.memory_space<vmem>>[vector<16xi32>], vector<16xf32>,
      %add3A_427 = arith.addf %gather3A_419, %gather3A_426 : vector<16xf32>
      %mul3A_428 = arith.constant 2.000000e-01 : f32
      %mul3A_429 = vector.broadcast %mul3A_428 : f32 to vector<16xf32>
      %mul3A_430 = arith.mulf %mul3A_429, %add3A_427 : vector<16xf32>
      %max3A_431 = arith.maximumf %add3A_427, %mul3A_430 : vector<16xf32>
      %add3A_432 = arith.constant 176 : i32
      %add3A_433 = arith.addi %add3A_11, %add3A_432 : i32
      %iota3A_434 = tpu.iota {dimensions = array<i32: 0>} : vector<16xi32>
      %add3A_435 = vector.broadcast %add3A_433 : i32 to vector<16xi32>
      %add3A_436 = arith.addi %add3A_435, %iota3A_434 : vector<16xi32>
      %lt3A_437 = arith.constant 320000 : i32
      %lt3A_438 = vector.broadcast %lt3A_437 : i32 to vector<16xi32>
      %lt3A_439 = arith.cmpi slt, %add3A_436, %lt3A_438 : vector<16xi32>
      %exp3A_440 = math.exp %max3A_431 : vector<16xf32>
      %jit3A_441 = arith.constant 0.000000e+00 : f32
      %broadcast_in_dim3A_442 = vector.broadcast %jit3A_441 : f32 to vector<16xf32>
      %select_n3A_443 = arith.select %lt3A_439, %exp3A_440, %broadcast_in_dim3A_442 : vector<16xi1>, vector<16xf32>
      %swap3A_444 = arith.constant 176 : index
      %swap3A_445 = tpu.vector_load %arg9[%swap3A_444] {strides = array<i32>} : memref<512xf32, #tpu.memory_space<vmem>>, vector<16xf32>,
      tpu.vector_store %arg9[%swap3A_444], %select_n3A_443 {strides = array<i32>} : memref<512xf32, #tpu.memory_space<vmem>>, vector<16xf32>,
      %get3A_446 = arith.constant 192 : index
      %get3A_447 = tpu.vector_load %arg7[%get3A_446] {strides = array<i32>} : memref<512xi32, #tpu.memory_space<vmem>>, vector<16xi32>,
      %get3A_448 = arith.constant 192 : index
      %get3A_449 = tpu.vector_load %arg8[%get3A_448] {strides = array<i32>} : memref<512xi32, #tpu.memory_space<vmem>>, vector<16xi32>,
      %max3A_450 = arith.constant 0 : i32
      %max3A_451 = vector.broadcast %max3A_450 : i32 to vector<16xi32>
      %max3A_452 = arith.maxsi %get3A_449, %max3A_451 : vector<16xi32>
      %mul3A_453 = arith.constant 2 : i32
      %mul3A_454 = vector.broadcast %mul3A_453 : i32 to vector<16xi32>
      %mul3A_455 = arith.muli %mul3A_454, %get3A_447 : vector<16xi32>
      %gather3A_456 = tpu.vector_load_idx %arg6[%mul3A_455] : memref<20000xf32, #tpu.memory_space<vmem>>[vector<16xi32>], vector<16xf32>,
      %mul3A_457 = arith.constant 2 : i32
      %mul3A_458 = vector.broadcast %mul3A_457 : i32 to vector<16xi32>
      %mul3A_459 = arith.muli %mul3A_458, %max3A_452 : vector<16xi32>
      %add3A_460 = arith.constant 1 : i32
      %add3A_461 = vector.broadcast %add3A_460 : i32 to vector<16xi32>
      %add3A_462 = arith.addi %mul3A_459, %add3A_461 : vector<16xi32>
      %gather3A_463 = tpu.vector_load_idx %arg6[%add3A_462] : memref<20000xf32, #tpu.memory_space<vmem>>[vector<16xi32>], vector<16xf32>,
      %add3A_464 = arith.addf %gather3A_456, %gather3A_463 : vector<16xf32>
      %mul3A_465 = arith.constant 2.000000e-01 : f32
      %mul3A_466 = vector.broadcast %mul3A_465 : f32 to vector<16xf32>
      %mul3A_467 = arith.mulf %mul3A_466, %add3A_464 : vector<16xf32>
      %max3A_468 = arith.maximumf %add3A_464, %mul3A_467 : vector<16xf32>
      %add3A_469 = arith.constant 192 : i32
      %add3A_470 = arith.addi %add3A_11, %add3A_469 : i32
      %iota3A_471 = tpu.iota {dimensions = array<i32: 0>} : vector<16xi32>
      %add3A_472 = vector.broadcast %add3A_470 : i32 to vector<16xi32>
      %add3A_473 = arith.addi %add3A_472, %iota3A_471 : vector<16xi32>
      %lt3A_474 = arith.constant 320000 : i32
      %lt3A_475 = vector.broadcast %lt3A_474 : i32 to vector<16xi32>
      %lt3A_476 = arith.cmpi slt, %add3A_473, %lt3A_475 : vector<16xi32>
      %exp3A_477 = math.exp %max3A_468 : vector<16xf32>
      %jit3A_478 = arith.constant 0.000000e+00 : f32
      %broadcast_in_dim3A_479 = vector.broadcast %jit3A_478 : f32 to vector<16xf32>
      %select_n3A_480 = arith.select %lt3A_476, %exp3A_477, %broadcast_in_dim3A_479 : vector<16xi1>, vector<16xf32>
      %swap3A_481 = arith.constant 192 : index
      %swap3A_482 = tpu.vector_load %arg9[%swap3A_481] {strides = array<i32>} : memref<512xf32, #tpu.memory_space<vmem>>, vector<16xf32>,
      tpu.vector_store %arg9[%swap3A_481], %select_n3A_480 {strides = array<i32>} : memref<512xf32, #tpu.memory_space<vmem>>, vector<16xf32>,
      %get3A_483 = arith.constant 208 : index
      %get3A_484 = tpu.vector_load %arg7[%get3A_483] {strides = array<i32>} : memref<512xi32, #tpu.memory_space<vmem>>, vector<16xi32>,
      %get3A_485 = arith.constant 208 : index
      %get3A_486 = tpu.vector_load %arg8[%get3A_485] {strides = array<i32>} : memref<512xi32, #tpu.memory_space<vmem>>, vector<16xi32>,
      %max3A_487 = arith.constant 0 : i32
      %max3A_488 = vector.broadcast %max3A_487 : i32 to vector<16xi32>
      %max3A_489 = arith.maxsi %get3A_486, %max3A_488 : vector<16xi32>
      %mul3A_490 = arith.constant 2 : i32
      %mul3A_491 = vector.broadcast %mul3A_490 : i32 to vector<16xi32>
      %mul3A_492 = arith.muli %mul3A_491, %get3A_484 : vector<16xi32>
      %gather3A_493 = tpu.vector_load_idx %arg6[%mul3A_492] : memref<20000xf32, #tpu.memory_space<vmem>>[vector<16xi32>], vector<16xf32>,
      %mul3A_494 = arith.constant 2 : i32
      %mul3A_495 = vector.broadcast %mul3A_494 : i32 to vector<16xi32>
      %mul3A_496 = arith.muli %mul3A_495, %max3A_489 : vector<16xi32>
      %add3A_497 = arith.constant 1 : i32
      %add3A_498 = vector.broadcast %add3A_497 : i32 to vector<16xi32>
      %add3A_499 = arith.addi %mul3A_496, %add3A_498 : vector<16xi32>
      %gather3A_500 = tpu.vector_load_idx %arg6[%add3A_499] : memref<20000xf32, #tpu.memory_space<vmem>>[vector<16xi32>], vector<16xf32>,
      %add3A_501 = arith.addf %gather3A_493, %gather3A_500 : vector<16xf32>
      %mul3A_502 = arith.constant 2.000000e-01 : f32
      %mul3A_503 = vector.broadcast %mul3A_502 : f32 to vector<16xf32>
      %mul3A_504 = arith.mulf %mul3A_503, %add3A_501 : vector<16xf32>
      %max3A_505 = arith.maximumf %add3A_501, %mul3A_504 : vector<16xf32>
      %add3A_506 = arith.constant 208 : i32
      %add3A_507 = arith.addi %add3A_11, %add3A_506 : i32
      %iota3A_508 = tpu.iota {dimensions = array<i32: 0>} : vector<16xi32>
      %add3A_509 = vector.broadcast %add3A_507 : i32 to vector<16xi32>
      %add3A_510 = arith.addi %add3A_509, %iota3A_508 : vector<16xi32>
      %lt3A_511 = arith.constant 320000 : i32
      %lt3A_512 = vector.broadcast %lt3A_511 : i32 to vector<16xi32>
      %lt3A_513 = arith.cmpi slt, %add3A_510, %lt3A_512 : vector<16xi32>
      %exp3A_514 = math.exp %max3A_505 : vector<16xf32>
      %jit3A_515 = arith.constant 0.000000e+00 : f32
      %broadcast_in_dim3A_516 = vector.broadcast %jit3A_515 : f32 to vector<16xf32>
      %select_n3A_517 = arith.select %lt3A_513, %exp3A_514, %broadcast_in_dim3A_516 : vector<16xi1>, vector<16xf32>
      %swap3A_518 = arith.constant 208 : index
      %swap3A_519 = tpu.vector_load %arg9[%swap3A_518] {strides = array<i32>} : memref<512xf32, #tpu.memory_space<vmem>>, vector<16xf32>,
      tpu.vector_store %arg9[%swap3A_518], %select_n3A_517 {strides = array<i32>} : memref<512xf32, #tpu.memory_space<vmem>>, vector<16xf32>,
      %get3A_520 = arith.constant 224 : index
      %get3A_521 = tpu.vector_load %arg7[%get3A_520] {strides = array<i32>} : memref<512xi32, #tpu.memory_space<vmem>>, vector<16xi32>,
      %get3A_522 = arith.constant 224 : index
      %get3A_523 = tpu.vector_load %arg8[%get3A_522] {strides = array<i32>} : memref<512xi32, #tpu.memory_space<vmem>>, vector<16xi32>,
      %max3A_524 = arith.constant 0 : i32
      %max3A_525 = vector.broadcast %max3A_524 : i32 to vector<16xi32>
      %max3A_526 = arith.maxsi %get3A_523, %max3A_525 : vector<16xi32>
      %mul3A_527 = arith.constant 2 : i32
      %mul3A_528 = vector.broadcast %mul3A_527 : i32 to vector<16xi32>
      %mul3A_529 = arith.muli %mul3A_528, %get3A_521 : vector<16xi32>
      %gather3A_530 = tpu.vector_load_idx %arg6[%mul3A_529] : memref<20000xf32, #tpu.memory_space<vmem>>[vector<16xi32>], vector<16xf32>,
      %mul3A_531 = arith.constant 2 : i32
      %mul3A_532 = vector.broadcast %mul3A_531 : i32 to vector<16xi32>
      %mul3A_533 = arith.muli %mul3A_532, %max3A_526 : vector<16xi32>
      %add3A_534 = arith.constant 1 : i32
      %add3A_535 = vector.broadcast %add3A_534 : i32 to vector<16xi32>
      %add3A_536 = arith.addi %mul3A_533, %add3A_535 : vector<16xi32>
      %gather3A_537 = tpu.vector_load_idx %arg6[%add3A_536] : memref<20000xf32, #tpu.memory_space<vmem>>[vector<16xi32>], vector<16xf32>,
      %add3A_538 = arith.addf %gather3A_530, %gather3A_537 : vector<16xf32>
      %mul3A_539 = arith.constant 2.000000e-01 : f32
      %mul3A_540 = vector.broadcast %mul3A_539 : f32 to vector<16xf32>
      %mul3A_541 = arith.mulf %mul3A_540, %add3A_538 : vector<16xf32>
      %max3A_542 = arith.maximumf %add3A_538, %mul3A_541 : vector<16xf32>
      %add3A_543 = arith.constant 224 : i32
      %add3A_544 = arith.addi %add3A_11, %add3A_543 : i32
      %iota3A_545 = tpu.iota {dimensions = array<i32: 0>} : vector<16xi32>
      %add3A_546 = vector.broadcast %add3A_544 : i32 to vector<16xi32>
      %add3A_547 = arith.addi %add3A_546, %iota3A_545 : vector<16xi32>
      %lt3A_548 = arith.constant 320000 : i32
      %lt3A_549 = vector.broadcast %lt3A_548 : i32 to vector<16xi32>
      %lt3A_550 = arith.cmpi slt, %add3A_547, %lt3A_549 : vector<16xi32>
      %exp3A_551 = math.exp %max3A_542 : vector<16xf32>
      %jit3A_552 = arith.constant 0.000000e+00 : f32
      %broadcast_in_dim3A_553 = vector.broadcast %jit3A_552 : f32 to vector<16xf32>
      %select_n3A_554 = arith.select %lt3A_550, %exp3A_551, %broadcast_in_dim3A_553 : vector<16xi1>, vector<16xf32>
      %swap3A_555 = arith.constant 224 : index
      %swap3A_556 = tpu.vector_load %arg9[%swap3A_555] {strides = array<i32>} : memref<512xf32, #tpu.memory_space<vmem>>, vector<16xf32>,
      tpu.vector_store %arg9[%swap3A_555], %select_n3A_554 {strides = array<i32>} : memref<512xf32, #tpu.memory_space<vmem>>, vector<16xf32>,
      %get3A_557 = arith.constant 240 : index
      %get3A_558 = tpu.vector_load %arg7[%get3A_557] {strides = array<i32>} : memref<512xi32, #tpu.memory_space<vmem>>, vector<16xi32>,
      %get3A_559 = arith.constant 240 : index
      %get3A_560 = tpu.vector_load %arg8[%get3A_559] {strides = array<i32>} : memref<512xi32, #tpu.memory_space<vmem>>, vector<16xi32>,
      %max3A_561 = arith.constant 0 : i32
      %max3A_562 = vector.broadcast %max3A_561 : i32 to vector<16xi32>
      %max3A_563 = arith.maxsi %get3A_560, %max3A_562 : vector<16xi32>
      %mul3A_564 = arith.constant 2 : i32
      %mul3A_565 = vector.broadcast %mul3A_564 : i32 to vector<16xi32>
      %mul3A_566 = arith.muli %mul3A_565, %get3A_558 : vector<16xi32>
      %gather3A_567 = tpu.vector_load_idx %arg6[%mul3A_566] : memref<20000xf32, #tpu.memory_space<vmem>>[vector<16xi32>], vector<16xf32>,
      %mul3A_568 = arith.constant 2 : i32
      %mul3A_569 = vector.broadcast %mul3A_568 : i32 to vector<16xi32>
      %mul3A_570 = arith.muli %mul3A_569, %max3A_563 : vector<16xi32>
      %add3A_571 = arith.constant 1 : i32
      %add3A_572 = vector.broadcast %add3A_571 : i32 to vector<16xi32>
      %add3A_573 = arith.addi %mul3A_570, %add3A_572 : vector<16xi32>
      %gather3A_574 = tpu.vector_load_idx %arg6[%add3A_573] : memref<20000xf32, #tpu.memory_space<vmem>>[vector<16xi32>], vector<16xf32>,
      %add3A_575 = arith.addf %gather3A_567, %gather3A_574 : vector<16xf32>
      %mul3A_576 = arith.constant 2.000000e-01 : f32
      %mul3A_577 = vector.broadcast %mul3A_576 : f32 to vector<16xf32>
      %mul3A_578 = arith.mulf %mul3A_577, %add3A_575 : vector<16xf32>
      %max3A_579 = arith.maximumf %add3A_575, %mul3A_578 : vector<16xf32>
      %add3A_580 = arith.constant 240 : i32
      %add3A_581 = arith.addi %add3A_11, %add3A_580 : i32
      %iota3A_582 = tpu.iota {dimensions = array<i32: 0>} : vector<16xi32>
      %add3A_583 = vector.broadcast %add3A_581 : i32 to vector<16xi32>
      %add3A_584 = arith.addi %add3A_583, %iota3A_582 : vector<16xi32>
      %lt3A_585 = arith.constant 320000 : i32
      %lt3A_586 = vector.broadcast %lt3A_585 : i32 to vector<16xi32>
      %lt3A_587 = arith.cmpi slt, %add3A_584, %lt3A_586 : vector<16xi32>
      %exp3A_588 = math.exp %max3A_579 : vector<16xf32>
      %jit3A_589 = arith.constant 0.000000e+00 : f32
      %broadcast_in_dim3A_590 = vector.broadcast %jit3A_589 : f32 to vector<16xf32>
      %select_n3A_591 = arith.select %lt3A_587, %exp3A_588, %broadcast_in_dim3A_590 : vector<16xi1>, vector<16xf32>
      %swap3A_592 = arith.constant 240 : index
      %swap3A_593 = tpu.vector_load %arg9[%swap3A_592] {strides = array<i32>} : memref<512xf32, #tpu.memory_space<vmem>>, vector<16xf32>,
      tpu.vector_store %arg9[%swap3A_592], %select_n3A_591 {strides = array<i32>} : memref<512xf32, #tpu.memory_space<vmem>>, vector<16xf32>,
      %get3A_594 = arith.constant 256 : index
      %get3A_595 = tpu.vector_load %arg7[%get3A_594] {strides = array<i32>} : memref<512xi32, #tpu.memory_space<vmem>>, vector<16xi32>,
      %get3A_596 = arith.constant 256 : index
      %get3A_597 = tpu.vector_load %arg8[%get3A_596] {strides = array<i32>} : memref<512xi32, #tpu.memory_space<vmem>>, vector<16xi32>,
      %max3A_598 = arith.constant 0 : i32
      %max3A_599 = vector.broadcast %max3A_598 : i32 to vector<16xi32>
      %max3A_600 = arith.maxsi %get3A_597, %max3A_599 : vector<16xi32>
      %mul3A_601 = arith.constant 2 : i32
      %mul3A_602 = vector.broadcast %mul3A_601 : i32 to vector<16xi32>
      %mul3A_603 = arith.muli %mul3A_602, %get3A_595 : vector<16xi32>
      %gather3A_604 = tpu.vector_load_idx %arg6[%mul3A_603] : memref<20000xf32, #tpu.memory_space<vmem>>[vector<16xi32>], vector<16xf32>,
      %mul3A_605 = arith.constant 2 : i32
      %mul3A_606 = vector.broadcast %mul3A_605 : i32 to vector<16xi32>
      %mul3A_607 = arith.muli %mul3A_606, %max3A_600 : vector<16xi32>
      %add3A_608 = arith.constant 1 : i32
      %add3A_609 = vector.broadcast %add3A_608 : i32 to vector<16xi32>
      %add3A_610 = arith.addi %mul3A_607, %add3A_609 : vector<16xi32>
      %gather3A_611 = tpu.vector_load_idx %arg6[%add3A_610] : memref<20000xf32, #tpu.memory_space<vmem>>[vector<16xi32>], vector<16xf32>,
      %add3A_612 = arith.addf %gather3A_604, %gather3A_611 : vector<16xf32>
      %mul3A_613 = arith.constant 2.000000e-01 : f32
      %mul3A_614 = vector.broadcast %mul3A_613 : f32 to vector<16xf32>
      %mul3A_615 = arith.mulf %mul3A_614, %add3A_612 : vector<16xf32>
      %max3A_616 = arith.maximumf %add3A_612, %mul3A_615 : vector<16xf32>
      %add3A_617 = arith.constant 256 : i32
      %add3A_618 = arith.addi %add3A_11, %add3A_617 : i32
      %iota3A_619 = tpu.iota {dimensions = array<i32: 0>} : vector<16xi32>
      %add3A_620 = vector.broadcast %add3A_618 : i32 to vector<16xi32>
      %add3A_621 = arith.addi %add3A_620, %iota3A_619 : vector<16xi32>
      %lt3A_622 = arith.constant 320000 : i32
      %lt3A_623 = vector.broadcast %lt3A_622 : i32 to vector<16xi32>
      %lt3A_624 = arith.cmpi slt, %add3A_621, %lt3A_623 : vector<16xi32>
      %exp3A_625 = math.exp %max3A_616 : vector<16xf32>
      %jit3A_626 = arith.constant 0.000000e+00 : f32
      %broadcast_in_dim3A_627 = vector.broadcast %jit3A_626 : f32 to vector<16xf32>
      %select_n3A_628 = arith.select %lt3A_624, %exp3A_625, %broadcast_in_dim3A_627 : vector<16xi1>, vector<16xf32>
      %swap3A_629 = arith.constant 256 : index
      %swap3A_630 = tpu.vector_load %arg9[%swap3A_629] {strides = array<i32>} : memref<512xf32, #tpu.memory_space<vmem>>, vector<16xf32>,
      tpu.vector_store %arg9[%swap3A_629], %select_n3A_628 {strides = array<i32>} : memref<512xf32, #tpu.memory_space<vmem>>, vector<16xf32>,
      %get3A_631 = arith.constant 272 : index
      %get3A_632 = tpu.vector_load %arg7[%get3A_631] {strides = array<i32>} : memref<512xi32, #tpu.memory_space<vmem>>, vector<16xi32>,
      %get3A_633 = arith.constant 272 : index
      %get3A_634 = tpu.vector_load %arg8[%get3A_633] {strides = array<i32>} : memref<512xi32, #tpu.memory_space<vmem>>, vector<16xi32>,
      %max3A_635 = arith.constant 0 : i32
      %max3A_636 = vector.broadcast %max3A_635 : i32 to vector<16xi32>
      %max3A_637 = arith.maxsi %get3A_634, %max3A_636 : vector<16xi32>
      %mul3A_638 = arith.constant 2 : i32
      %mul3A_639 = vector.broadcast %mul3A_638 : i32 to vector<16xi32>
      %mul3A_640 = arith.muli %mul3A_639, %get3A_632 : vector<16xi32>
      %gather3A_641 = tpu.vector_load_idx %arg6[%mul3A_640] : memref<20000xf32, #tpu.memory_space<vmem>>[vector<16xi32>], vector<16xf32>,
      %mul3A_642 = arith.constant 2 : i32
      %mul3A_643 = vector.broadcast %mul3A_642 : i32 to vector<16xi32>
      %mul3A_644 = arith.muli %mul3A_643, %max3A_637 : vector<16xi32>
      %add3A_645 = arith.constant 1 : i32
      %add3A_646 = vector.broadcast %add3A_645 : i32 to vector<16xi32>
      %add3A_647 = arith.addi %mul3A_644, %add3A_646 : vector<16xi32>
      %gather3A_648 = tpu.vector_load_idx %arg6[%add3A_647] : memref<20000xf32, #tpu.memory_space<vmem>>[vector<16xi32>], vector<16xf32>,
      %add3A_649 = arith.addf %gather3A_641, %gather3A_648 : vector<16xf32>
      %mul3A_650 = arith.constant 2.000000e-01 : f32
      %mul3A_651 = vector.broadcast %mul3A_650 : f32 to vector<16xf32>
      %mul3A_652 = arith.mulf %mul3A_651, %add3A_649 : vector<16xf32>
      %max3A_653 = arith.maximumf %add3A_649, %mul3A_652 : vector<16xf32>
      %add3A_654 = arith.constant 272 : i32
      %add3A_655 = arith.addi %add3A_11, %add3A_654 : i32
      %iota3A_656 = tpu.iota {dimensions = array<i32: 0>} : vector<16xi32>
      %add3A_657 = vector.broadcast %add3A_655 : i32 to vector<16xi32>
      %add3A_658 = arith.addi %add3A_657, %iota3A_656 : vector<16xi32>
      %lt3A_659 = arith.constant 320000 : i32
      %lt3A_660 = vector.broadcast %lt3A_659 : i32 to vector<16xi32>
      %lt3A_661 = arith.cmpi slt, %add3A_658, %lt3A_660 : vector<16xi32>
      %exp3A_662 = math.exp %max3A_653 : vector<16xf32>
      %jit3A_663 = arith.constant 0.000000e+00 : f32
      %broadcast_in_dim3A_664 = vector.broadcast %jit3A_663 : f32 to vector<16xf32>
      %select_n3A_665 = arith.select %lt3A_661, %exp3A_662, %broadcast_in_dim3A_664 : vector<16xi1>, vector<16xf32>
      %swap3A_666 = arith.constant 272 : index
      %swap3A_667 = tpu.vector_load %arg9[%swap3A_666] {strides = array<i32>} : memref<512xf32, #tpu.memory_space<vmem>>, vector<16xf32>,
      tpu.vector_store %arg9[%swap3A_666], %select_n3A_665 {strides = array<i32>} : memref<512xf32, #tpu.memory_space<vmem>>, vector<16xf32>,
      %get3A_668 = arith.constant 288 : index
      %get3A_669 = tpu.vector_load %arg7[%get3A_668] {strides = array<i32>} : memref<512xi32, #tpu.memory_space<vmem>>, vector<16xi32>,
      %get3A_670 = arith.constant 288 : index
      %get3A_671 = tpu.vector_load %arg8[%get3A_670] {strides = array<i32>} : memref<512xi32, #tpu.memory_space<vmem>>, vector<16xi32>,
      %max3A_672 = arith.constant 0 : i32
      %max3A_673 = vector.broadcast %max3A_672 : i32 to vector<16xi32>
      %max3A_674 = arith.maxsi %get3A_671, %max3A_673 : vector<16xi32>
      %mul3A_675 = arith.constant 2 : i32
      %mul3A_676 = vector.broadcast %mul3A_675 : i32 to vector<16xi32>
      %mul3A_677 = arith.muli %mul3A_676, %get3A_669 : vector<16xi32>
      %gather3A_678 = tpu.vector_load_idx %arg6[%mul3A_677] : memref<20000xf32, #tpu.memory_space<vmem>>[vector<16xi32>], vector<16xf32>,
      %mul3A_679 = arith.constant 2 : i32
      %mul3A_680 = vector.broadcast %mul3A_679 : i32 to vector<16xi32>
      %mul3A_681 = arith.muli %mul3A_680, %max3A_674 : vector<16xi32>
      %add3A_682 = arith.constant 1 : i32
      %add3A_683 = vector.broadcast %add3A_682 : i32 to vector<16xi32>
      %add3A_684 = arith.addi %mul3A_681, %add3A_683 : vector<16xi32>
      %gather3A_685 = tpu.vector_load_idx %arg6[%add3A_684] : memref<20000xf32, #tpu.memory_space<vmem>>[vector<16xi32>], vector<16xf32>,
      %add3A_686 = arith.addf %gather3A_678, %gather3A_685 : vector<16xf32>
      %mul3A_687 = arith.constant 2.000000e-01 : f32
      %mul3A_688 = vector.broadcast %mul3A_687 : f32 to vector<16xf32>
      %mul3A_689 = arith.mulf %mul3A_688, %add3A_686 : vector<16xf32>
      %max3A_690 = arith.maximumf %add3A_686, %mul3A_689 : vector<16xf32>
      %add3A_691 = arith.constant 288 : i32
      %add3A_692 = arith.addi %add3A_11, %add3A_691 : i32
      %iota3A_693 = tpu.iota {dimensions = array<i32: 0>} : vector<16xi32>
      %add3A_694 = vector.broadcast %add3A_692 : i32 to vector<16xi32>
      %add3A_695 = arith.addi %add3A_694, %iota3A_693 : vector<16xi32>
      %lt3A_696 = arith.constant 320000 : i32
      %lt3A_697 = vector.broadcast %lt3A_696 : i32 to vector<16xi32>
      %lt3A_698 = arith.cmpi slt, %add3A_695, %lt3A_697 : vector<16xi32>
      %exp3A_699 = math.exp %max3A_690 : vector<16xf32>
      %jit3A_700 = arith.constant 0.000000e+00 : f32
      %broadcast_in_dim3A_701 = vector.broadcast %jit3A_700 : f32 to vector<16xf32>
      %select_n3A_702 = arith.select %lt3A_698, %exp3A_699, %broadcast_in_dim3A_701 : vector<16xi1>, vector<16xf32>
      %swap3A_703 = arith.constant 288 : index
      %swap3A_704 = tpu.vector_load %arg9[%swap3A_703] {strides = array<i32>} : memref<512xf32, #tpu.memory_space<vmem>>, vector<16xf32>,
      tpu.vector_store %arg9[%swap3A_703], %select_n3A_702 {strides = array<i32>} : memref<512xf32, #tpu.memory_space<vmem>>, vector<16xf32>,
      %get3A_705 = arith.constant 304 : index
      %get3A_706 = tpu.vector_load %arg7[%get3A_705] {strides = array<i32>} : memref<512xi32, #tpu.memory_space<vmem>>, vector<16xi32>,
      %get3A_707 = arith.constant 304 : index
      %get3A_708 = tpu.vector_load %arg8[%get3A_707] {strides = array<i32>} : memref<512xi32, #tpu.memory_space<vmem>>, vector<16xi32>,
      %max3A_709 = arith.constant 0 : i32
      %max3A_710 = vector.broadcast %max3A_709 : i32 to vector<16xi32>
      %max3A_711 = arith.maxsi %get3A_708, %max3A_710 : vector<16xi32>
      %mul3A_712 = arith.constant 2 : i32
      %mul3A_713 = vector.broadcast %mul3A_712 : i32 to vector<16xi32>
      %mul3A_714 = arith.muli %mul3A_713, %get3A_706 : vector<16xi32>
      %gather3A_715 = tpu.vector_load_idx %arg6[%mul3A_714] : memref<20000xf32, #tpu.memory_space<vmem>>[vector<16xi32>], vector<16xf32>,
      %mul3A_716 = arith.constant 2 : i32
      %mul3A_717 = vector.broadcast %mul3A_716 : i32 to vector<16xi32>
      %mul3A_718 = arith.muli %mul3A_717, %max3A_711 : vector<16xi32>
      %add3A_719 = arith.constant 1 : i32
      %add3A_720 = vector.broadcast %add3A_719 : i32 to vector<16xi32>
      %add3A_721 = arith.addi %mul3A_718, %add3A_720 : vector<16xi32>
      %gather3A_722 = tpu.vector_load_idx %arg6[%add3A_721] : memref<20000xf32, #tpu.memory_space<vmem>>[vector<16xi32>], vector<16xf32>,
      %add3A_723 = arith.addf %gather3A_715, %gather3A_722 : vector<16xf32>
      %mul3A_724 = arith.constant 2.000000e-01 : f32
      %mul3A_725 = vector.broadcast %mul3A_724 : f32 to vector<16xf32>
      %mul3A_726 = arith.mulf %mul3A_725, %add3A_723 : vector<16xf32>
      %max3A_727 = arith.maximumf %add3A_723, %mul3A_726 : vector<16xf32>
      %add3A_728 = arith.constant 304 : i32
      %add3A_729 = arith.addi %add3A_11, %add3A_728 : i32
      %iota3A_730 = tpu.iota {dimensions = array<i32: 0>} : vector<16xi32>
      %add3A_731 = vector.broadcast %add3A_729 : i32 to vector<16xi32>
      %add3A_732 = arith.addi %add3A_731, %iota3A_730 : vector<16xi32>
      %lt3A_733 = arith.constant 320000 : i32
      %lt3A_734 = vector.broadcast %lt3A_733 : i32 to vector<16xi32>
      %lt3A_735 = arith.cmpi slt, %add3A_732, %lt3A_734 : vector<16xi32>
      %exp3A_736 = math.exp %max3A_727 : vector<16xf32>
      %jit3A_737 = arith.constant 0.000000e+00 : f32
      %broadcast_in_dim3A_738 = vector.broadcast %jit3A_737 : f32 to vector<16xf32>
      %select_n3A_739 = arith.select %lt3A_735, %exp3A_736, %broadcast_in_dim3A_738 : vector<16xi1>, vector<16xf32>
      %swap3A_740 = arith.constant 304 : index
      %swap3A_741 = tpu.vector_load %arg9[%swap3A_740] {strides = array<i32>} : memref<512xf32, #tpu.memory_space<vmem>>, vector<16xf32>,
      tpu.vector_store %arg9[%swap3A_740], %select_n3A_739 {strides = array<i32>} : memref<512xf32, #tpu.memory_space<vmem>>, vector<16xf32>,
      %get3A_742 = arith.constant 320 : index
      %get3A_743 = tpu.vector_load %arg7[%get3A_742] {strides = array<i32>} : memref<512xi32, #tpu.memory_space<vmem>>, vector<16xi32>,
      %get3A_744 = arith.constant 320 : index
      %get3A_745 = tpu.vector_load %arg8[%get3A_744] {strides = array<i32>} : memref<512xi32, #tpu.memory_space<vmem>>, vector<16xi32>,
      %max3A_746 = arith.constant 0 : i32
      %max3A_747 = vector.broadcast %max3A_746 : i32 to vector<16xi32>
      %max3A_748 = arith.maxsi %get3A_745, %max3A_747 : vector<16xi32>
      %mul3A_749 = arith.constant 2 : i32
      %mul3A_750 = vector.broadcast %mul3A_749 : i32 to vector<16xi32>
      %mul3A_751 = arith.muli %mul3A_750, %get3A_743 : vector<16xi32>
      %gather3A_752 = tpu.vector_load_idx %arg6[%mul3A_751] : memref<20000xf32, #tpu.memory_space<vmem>>[vector<16xi32>], vector<16xf32>,
      %mul3A_753 = arith.constant 2 : i32
      %mul3A_754 = vector.broadcast %mul3A_753 : i32 to vector<16xi32>
      %mul3A_755 = arith.muli %mul3A_754, %max3A_748 : vector<16xi32>
      %add3A_756 = arith.constant 1 : i32
      %add3A_757 = vector.broadcast %add3A_756 : i32 to vector<16xi32>
      %add3A_758 = arith.addi %mul3A_755, %add3A_757 : vector<16xi32>
      %gather3A_759 = tpu.vector_load_idx %arg6[%add3A_758] : memref<20000xf32, #tpu.memory_space<vmem>>[vector<16xi32>], vector<16xf32>,
      %add3A_760 = arith.addf %gather3A_752, %gather3A_759 : vector<16xf32>
      %mul3A_761 = arith.constant 2.000000e-01 : f32
      %mul3A_762 = vector.broadcast %mul3A_761 : f32 to vector<16xf32>
      %mul3A_763 = arith.mulf %mul3A_762, %add3A_760 : vector<16xf32>
      %max3A_764 = arith.maximumf %add3A_760, %mul3A_763 : vector<16xf32>
      %add3A_765 = arith.constant 320 : i32
      %add3A_766 = arith.addi %add3A_11, %add3A_765 : i32
      %iota3A_767 = tpu.iota {dimensions = array<i32: 0>} : vector<16xi32>
      %add3A_768 = vector.broadcast %add3A_766 : i32 to vector<16xi32>
      %add3A_769 = arith.addi %add3A_768, %iota3A_767 : vector<16xi32>
      %lt3A_770 = arith.constant 320000 : i32
      %lt3A_771 = vector.broadcast %lt3A_770 : i32 to vector<16xi32>
      %lt3A_772 = arith.cmpi slt, %add3A_769, %lt3A_771 : vector<16xi32>
      %exp3A_773 = math.exp %max3A_764 : vector<16xf32>
      %jit3A_774 = arith.constant 0.000000e+00 : f32
      %broadcast_in_dim3A_775 = vector.broadcast %jit3A_774 : f32 to vector<16xf32>
      %select_n3A_776 = arith.select %lt3A_772, %exp3A_773, %broadcast_in_dim3A_775 : vector<16xi1>, vector<16xf32>
      %swap3A_777 = arith.constant 320 : index
      %swap3A_778 = tpu.vector_load %arg9[%swap3A_777] {strides = array<i32>} : memref<512xf32, #tpu.memory_space<vmem>>, vector<16xf32>,
      tpu.vector_store %arg9[%swap3A_777], %select_n3A_776 {strides = array<i32>} : memref<512xf32, #tpu.memory_space<vmem>>, vector<16xf32>,
      %get3A_779 = arith.constant 336 : index
      %get3A_780 = tpu.vector_load %arg7[%get3A_779] {strides = array<i32>} : memref<512xi32, #tpu.memory_space<vmem>>, vector<16xi32>,
      %get3A_781 = arith.constant 336 : index
      %get3A_782 = tpu.vector_load %arg8[%get3A_781] {strides = array<i32>} : memref<512xi32, #tpu.memory_space<vmem>>, vector<16xi32>,
      %max3A_783 = arith.constant 0 : i32
      %max3A_784 = vector.broadcast %max3A_783 : i32 to vector<16xi32>
      %max3A_785 = arith.maxsi %get3A_782, %max3A_784 : vector<16xi32>
      %mul3A_786 = arith.constant 2 : i32
      %mul3A_787 = vector.broadcast %mul3A_786 : i32 to vector<16xi32>
      %mul3A_788 = arith.muli %mul3A_787, %get3A_780 : vector<16xi32>
      %gather3A_789 = tpu.vector_load_idx %arg6[%mul3A_788] : memref<20000xf32, #tpu.memory_space<vmem>>[vector<16xi32>], vector<16xf32>,
      %mul3A_790 = arith.constant 2 : i32
      %mul3A_791 = vector.broadcast %mul3A_790 : i32 to vector<16xi32>
      %mul3A_792 = arith.muli %mul3A_791, %max3A_785 : vector<16xi32>
      %add3A_793 = arith.constant 1 : i32
      %add3A_794 = vector.broadcast %add3A_793 : i32 to vector<16xi32>
      %add3A_795 = arith.addi %mul3A_792, %add3A_794 : vector<16xi32>
      %gather3A_796 = tpu.vector_load_idx %arg6[%add3A_795] : memref<20000xf32, #tpu.memory_space<vmem>>[vector<16xi32>], vector<16xf32>,
      %add3A_797 = arith.addf %gather3A_789, %gather3A_796 : vector<16xf32>
      %mul3A_798 = arith.constant 2.000000e-01 : f32
      %mul3A_799 = vector.broadcast %mul3A_798 : f32 to vector<16xf32>
      %mul3A_800 = arith.mulf %mul3A_799, %add3A_797 : vector<16xf32>
      %max3A_801 = arith.maximumf %add3A_797, %mul3A_800 : vector<16xf32>
      %add3A_802 = arith.constant 336 : i32
      %add3A_803 = arith.addi %add3A_11, %add3A_802 : i32
      %iota3A_804 = tpu.iota {dimensions = array<i32: 0>} : vector<16xi32>
      %add3A_805 = vector.broadcast %add3A_803 : i32 to vector<16xi32>
      %add3A_806 = arith.addi %add3A_805, %iota3A_804 : vector<16xi32>
      %lt3A_807 = arith.constant 320000 : i32
      %lt3A_808 = vector.broadcast %lt3A_807 : i32 to vector<16xi32>
      %lt3A_809 = arith.cmpi slt, %add3A_806, %lt3A_808 : vector<16xi32>
      %exp3A_810 = math.exp %max3A_801 : vector<16xf32>
      %jit3A_811 = arith.constant 0.000000e+00 : f32
      %broadcast_in_dim3A_812 = vector.broadcast %jit3A_811 : f32 to vector<16xf32>
      %select_n3A_813 = arith.select %lt3A_809, %exp3A_810, %broadcast_in_dim3A_812 : vector<16xi1>, vector<16xf32>
      %swap3A_814 = arith.constant 336 : index
      %swap3A_815 = tpu.vector_load %arg9[%swap3A_814] {strides = array<i32>} : memref<512xf32, #tpu.memory_space<vmem>>, vector<16xf32>,
      tpu.vector_store %arg9[%swap3A_814], %select_n3A_813 {strides = array<i32>} : memref<512xf32, #tpu.memory_space<vmem>>, vector<16xf32>,
      %get3A_816 = arith.constant 352 : index
      %get3A_817 = tpu.vector_load %arg7[%get3A_816] {strides = array<i32>} : memref<512xi32, #tpu.memory_space<vmem>>, vector<16xi32>,
      %get3A_818 = arith.constant 352 : index
      %get3A_819 = tpu.vector_load %arg8[%get3A_818] {strides = array<i32>} : memref<512xi32, #tpu.memory_space<vmem>>, vector<16xi32>,
      %max3A_820 = arith.constant 0 : i32
      %max3A_821 = vector.broadcast %max3A_820 : i32 to vector<16xi32>
      %max3A_822 = arith.maxsi %get3A_819, %max3A_821 : vector<16xi32>
      %mul3A_823 = arith.constant 2 : i32
      %mul3A_824 = vector.broadcast %mul3A_823 : i32 to vector<16xi32>
      %mul3A_825 = arith.muli %mul3A_824, %get3A_817 : vector<16xi32>
      %gather3A_826 = tpu.vector_load_idx %arg6[%mul3A_825] : memref<20000xf32, #tpu.memory_space<vmem>>[vector<16xi32>], vector<16xf32>,
      %mul3A_827 = arith.constant 2 : i32
      %mul3A_828 = vector.broadcast %mul3A_827 : i32 to vector<16xi32>
      %mul3A_829 = arith.muli %mul3A_828, %max3A_822 : vector<16xi32>
      %add3A_830 = arith.constant 1 : i32
      %add3A_831 = vector.broadcast %add3A_830 : i32 to vector<16xi32>
      %add3A_832 = arith.addi %mul3A_829, %add3A_831 : vector<16xi32>
      %gather3A_833 = tpu.vector_load_idx %arg6[%add3A_832] : memref<20000xf32, #tpu.memory_space<vmem>>[vector<16xi32>], vector<16xf32>,
      %add3A_834 = arith.addf %gather3A_826, %gather3A_833 : vector<16xf32>
      %mul3A_835 = arith.constant 2.000000e-01 : f32
      %mul3A_836 = vector.broadcast %mul3A_835 : f32 to vector<16xf32>
      %mul3A_837 = arith.mulf %mul3A_836, %add3A_834 : vector<16xf32>
      %max3A_838 = arith.maximumf %add3A_834, %mul3A_837 : vector<16xf32>
      %add3A_839 = arith.constant 352 : i32
      %add3A_840 = arith.addi %add3A_11, %add3A_839 : i32
      %iota3A_841 = tpu.iota {dimensions = array<i32: 0>} : vector<16xi32>
      %add3A_842 = vector.broadcast %add3A_840 : i32 to vector<16xi32>
      %add3A_843 = arith.addi %add3A_842, %iota3A_841 : vector<16xi32>
      %lt3A_844 = arith.constant 320000 : i32
      %lt3A_845 = vector.broadcast %lt3A_844 : i32 to vector<16xi32>
      %lt3A_846 = arith.cmpi slt, %add3A_843, %lt3A_845 : vector<16xi32>
      %exp3A_847 = math.exp %max3A_838 : vector<16xf32>
      %jit3A_848 = arith.constant 0.000000e+00 : f32
      %broadcast_in_dim3A_849 = vector.broadcast %jit3A_848 : f32 to vector<16xf32>
      %select_n3A_850 = arith.select %lt3A_846, %exp3A_847, %broadcast_in_dim3A_849 : vector<16xi1>, vector<16xf32>
      %swap3A_851 = arith.constant 352 : index
      %swap3A_852 = tpu.vector_load %arg9[%swap3A_851] {strides = array<i32>} : memref<512xf32, #tpu.memory_space<vmem>>, vector<16xf32>,
      tpu.vector_store %arg9[%swap3A_851], %select_n3A_850 {strides = array<i32>} : memref<512xf32, #tpu.memory_space<vmem>>, vector<16xf32>,
      %get3A_853 = arith.constant 368 : index
      %get3A_854 = tpu.vector_load %arg7[%get3A_853] {strides = array<i32>} : memref<512xi32, #tpu.memory_space<vmem>>, vector<16xi32>,
      %get3A_855 = arith.constant 368 : index
      %get3A_856 = tpu.vector_load %arg8[%get3A_855] {strides = array<i32>} : memref<512xi32, #tpu.memory_space<vmem>>, vector<16xi32>,
      %max3A_857 = arith.constant 0 : i32
      %max3A_858 = vector.broadcast %max3A_857 : i32 to vector<16xi32>
      %max3A_859 = arith.maxsi %get3A_856, %max3A_858 : vector<16xi32>
      %mul3A_860 = arith.constant 2 : i32
      %mul3A_861 = vector.broadcast %mul3A_860 : i32 to vector<16xi32>
      %mul3A_862 = arith.muli %mul3A_861, %get3A_854 : vector<16xi32>
      %gather3A_863 = tpu.vector_load_idx %arg6[%mul3A_862] : memref<20000xf32, #tpu.memory_space<vmem>>[vector<16xi32>], vector<16xf32>,
      %mul3A_864 = arith.constant 2 : i32
      %mul3A_865 = vector.broadcast %mul3A_864 : i32 to vector<16xi32>
      %mul3A_866 = arith.muli %mul3A_865, %max3A_859 : vector<16xi32>
      %add3A_867 = arith.constant 1 : i32
      %add3A_868 = vector.broadcast %add3A_867 : i32 to vector<16xi32>
      %add3A_869 = arith.addi %mul3A_866, %add3A_868 : vector<16xi32>
      %gather3A_870 = tpu.vector_load_idx %arg6[%add3A_869] : memref<20000xf32, #tpu.memory_space<vmem>>[vector<16xi32>], vector<16xf32>,
      %add3A_871 = arith.addf %gather3A_863, %gather3A_870 : vector<16xf32>
      %mul3A_872 = arith.constant 2.000000e-01 : f32
      %mul3A_873 = vector.broadcast %mul3A_872 : f32 to vector<16xf32>
      %mul3A_874 = arith.mulf %mul3A_873, %add3A_871 : vector<16xf32>
      %max3A_875 = arith.maximumf %add3A_871, %mul3A_874 : vector<16xf32>
      %add3A_876 = arith.constant 368 : i32
      %add3A_877 = arith.addi %add3A_11, %add3A_876 : i32
      %iota3A_878 = tpu.iota {dimensions = array<i32: 0>} : vector<16xi32>
      %add3A_879 = vector.broadcast %add3A_877 : i32 to vector<16xi32>
      %add3A_880 = arith.addi %add3A_879, %iota3A_878 : vector<16xi32>
      %lt3A_881 = arith.constant 320000 : i32
      %lt3A_882 = vector.broadcast %lt3A_881 : i32 to vector<16xi32>
      %lt3A_883 = arith.cmpi slt, %add3A_880, %lt3A_882 : vector<16xi32>
      %exp3A_884 = math.exp %max3A_875 : vector<16xf32>
      %jit3A_885 = arith.constant 0.000000e+00 : f32
      %broadcast_in_dim3A_886 = vector.broadcast %jit3A_885 : f32 to vector<16xf32>
      %select_n3A_887 = arith.select %lt3A_883, %exp3A_884, %broadcast_in_dim3A_886 : vector<16xi1>, vector<16xf32>
      %swap3A_888 = arith.constant 368 : index
      %swap3A_889 = tpu.vector_load %arg9[%swap3A_888] {strides = array<i32>} : memref<512xf32, #tpu.memory_space<vmem>>, vector<16xf32>,
      tpu.vector_store %arg9[%swap3A_888], %select_n3A_887 {strides = array<i32>} : memref<512xf32, #tpu.memory_space<vmem>>, vector<16xf32>,
      %get3A_890 = arith.constant 384 : index
      %get3A_891 = tpu.vector_load %arg7[%get3A_890] {strides = array<i32>} : memref<512xi32, #tpu.memory_space<vmem>>, vector<16xi32>,
      %get3A_892 = arith.constant 384 : index
      %get3A_893 = tpu.vector_load %arg8[%get3A_892] {strides = array<i32>} : memref<512xi32, #tpu.memory_space<vmem>>, vector<16xi32>,
      %max3A_894 = arith.constant 0 : i32
      %max3A_895 = vector.broadcast %max3A_894 : i32 to vector<16xi32>
      %max3A_896 = arith.maxsi %get3A_893, %max3A_895 : vector<16xi32>
      %mul3A_897 = arith.constant 2 : i32
      %mul3A_898 = vector.broadcast %mul3A_897 : i32 to vector<16xi32>
      %mul3A_899 = arith.muli %mul3A_898, %get3A_891 : vector<16xi32>
      %gather3A_900 = tpu.vector_load_idx %arg6[%mul3A_899] : memref<20000xf32, #tpu.memory_space<vmem>>[vector<16xi32>], vector<16xf32>,
      %mul3A_901 = arith.constant 2 : i32
      %mul3A_902 = vector.broadcast %mul3A_901 : i32 to vector<16xi32>
      %mul3A_903 = arith.muli %mul3A_902, %max3A_896 : vector<16xi32>
      %add3A_904 = arith.constant 1 : i32
      %add3A_905 = vector.broadcast %add3A_904 : i32 to vector<16xi32>
      %add3A_906 = arith.addi %mul3A_903, %add3A_905 : vector<16xi32>
      %gather3A_907 = tpu.vector_load_idx %arg6[%add3A_906] : memref<20000xf32, #tpu.memory_space<vmem>>[vector<16xi32>], vector<16xf32>,
      %add3A_908 = arith.addf %gather3A_900, %gather3A_907 : vector<16xf32>
      %mul3A_909 = arith.constant 2.000000e-01 : f32
      %mul3A_910 = vector.broadcast %mul3A_909 : f32 to vector<16xf32>
      %mul3A_911 = arith.mulf %mul3A_910, %add3A_908 : vector<16xf32>
      %max3A_912 = arith.maximumf %add3A_908, %mul3A_911 : vector<16xf32>
      %add3A_913 = arith.constant 384 : i32
      %add3A_914 = arith.addi %add3A_11, %add3A_913 : i32
      %iota3A_915 = tpu.iota {dimensions = array<i32: 0>} : vector<16xi32>
      %add3A_916 = vector.broadcast %add3A_914 : i32 to vector<16xi32>
      %add3A_917 = arith.addi %add3A_916, %iota3A_915 : vector<16xi32>
      %lt3A_918 = arith.constant 320000 : i32
      %lt3A_919 = vector.broadcast %lt3A_918 : i32 to vector<16xi32>
      %lt3A_920 = arith.cmpi slt, %add3A_917, %lt3A_919 : vector<16xi32>
      %exp3A_921 = math.exp %max3A_912 : vector<16xf32>
      %jit3A_922 = arith.constant 0.000000e+00 : f32
      %broadcast_in_dim3A_923 = vector.broadcast %jit3A_922 : f32 to vector<16xf32>
      %select_n3A_924 = arith.select %lt3A_920, %exp3A_921, %broadcast_in_dim3A_923 : vector<16xi1>, vector<16xf32>
      %swap3A_925 = arith.constant 384 : index
      %swap3A_926 = tpu.vector_load %arg9[%swap3A_925] {strides = array<i32>} : memref<512xf32, #tpu.memory_space<vmem>>, vector<16xf32>,
      tpu.vector_store %arg9[%swap3A_925], %select_n3A_924 {strides = array<i32>} : memref<512xf32, #tpu.memory_space<vmem>>, vector<16xf32>,
      %get3A_927 = arith.constant 400 : index
      %get3A_928 = tpu.vector_load %arg7[%get3A_927] {strides = array<i32>} : memref<512xi32, #tpu.memory_space<vmem>>, vector<16xi32>,
      %get3A_929 = arith.constant 400 : index
      %get3A_930 = tpu.vector_load %arg8[%get3A_929] {strides = array<i32>} : memref<512xi32, #tpu.memory_space<vmem>>, vector<16xi32>,
      %max3A_931 = arith.constant 0 : i32
      %max3A_932 = vector.broadcast %max3A_931 : i32 to vector<16xi32>
      %max3A_933 = arith.maxsi %get3A_930, %max3A_932 : vector<16xi32>
      %mul3A_934 = arith.constant 2 : i32
      %mul3A_935 = vector.broadcast %mul3A_934 : i32 to vector<16xi32>
      %mul3A_936 = arith.muli %mul3A_935, %get3A_928 : vector<16xi32>
      %gather3A_937 = tpu.vector_load_idx %arg6[%mul3A_936] : memref<20000xf32, #tpu.memory_space<vmem>>[vector<16xi32>], vector<16xf32>,
      %mul3A_938 = arith.constant 2 : i32
      %mul3A_939 = vector.broadcast %mul3A_938 : i32 to vector<16xi32>
      %mul3A_940 = arith.muli %mul3A_939, %max3A_933 : vector<16xi32>
      %add3A_941 = arith.constant 1 : i32
      %add3A_942 = vector.broadcast %add3A_941 : i32 to vector<16xi32>
      %add3A_943 = arith.addi %mul3A_940, %add3A_942 : vector<16xi32>
      %gather3A_944 = tpu.vector_load_idx %arg6[%add3A_943] : memref<20000xf32, #tpu.memory_space<vmem>>[vector<16xi32>], vector<16xf32>,
      %add3A_945 = arith.addf %gather3A_937, %gather3A_944 : vector<16xf32>
      %mul3A_946 = arith.constant 2.000000e-01 : f32
      %mul3A_947 = vector.broadcast %mul3A_946 : f32 to vector<16xf32>
      %mul3A_948 = arith.mulf %mul3A_947, %add3A_945 : vector<16xf32>
      %max3A_949 = arith.maximumf %add3A_945, %mul3A_948 : vector<16xf32>
      %add3A_950 = arith.constant 400 : i32
      %add3A_951 = arith.addi %add3A_11, %add3A_950 : i32
      %iota3A_952 = tpu.iota {dimensions = array<i32: 0>} : vector<16xi32>
      %add3A_953 = vector.broadcast %add3A_951 : i32 to vector<16xi32>
      %add3A_954 = arith.addi %add3A_953, %iota3A_952 : vector<16xi32>
      %lt3A_955 = arith.constant 320000 : i32
      %lt3A_956 = vector.broadcast %lt3A_955 : i32 to vector<16xi32>
      %lt3A_957 = arith.cmpi slt, %add3A_954, %lt3A_956 : vector<16xi32>
      %exp3A_958 = math.exp %max3A_949 : vector<16xf32>
      %jit3A_959 = arith.constant 0.000000e+00 : f32
      %broadcast_in_dim3A_960 = vector.broadcast %jit3A_959 : f32 to vector<16xf32>
      %select_n3A_961 = arith.select %lt3A_957, %exp3A_958, %broadcast_in_dim3A_960 : vector<16xi1>, vector<16xf32>
      %swap3A_962 = arith.constant 400 : index
      %swap3A_963 = tpu.vector_load %arg9[%swap3A_962] {strides = array<i32>} : memref<512xf32, #tpu.memory_space<vmem>>, vector<16xf32>,
      tpu.vector_store %arg9[%swap3A_962], %select_n3A_961 {strides = array<i32>} : memref<512xf32, #tpu.memory_space<vmem>>, vector<16xf32>,
      %get3A_964 = arith.constant 416 : index
      %get3A_965 = tpu.vector_load %arg7[%get3A_964] {strides = array<i32>} : memref<512xi32, #tpu.memory_space<vmem>>, vector<16xi32>,
      %get3A_966 = arith.constant 416 : index
      %get3A_967 = tpu.vector_load %arg8[%get3A_966] {strides = array<i32>} : memref<512xi32, #tpu.memory_space<vmem>>, vector<16xi32>,
      %max3A_968 = arith.constant 0 : i32
      %max3A_969 = vector.broadcast %max3A_968 : i32 to vector<16xi32>
      %max3A_970 = arith.maxsi %get3A_967, %max3A_969 : vector<16xi32>
      %mul3A_971 = arith.constant 2 : i32
      %mul3A_972 = vector.broadcast %mul3A_971 : i32 to vector<16xi32>
      %mul3A_973 = arith.muli %mul3A_972, %get3A_965 : vector<16xi32>
      %gather3A_974 = tpu.vector_load_idx %arg6[%mul3A_973] : memref<20000xf32, #tpu.memory_space<vmem>>[vector<16xi32>], vector<16xf32>,
      %mul3A_975 = arith.constant 2 : i32
      %mul3A_976 = vector.broadcast %mul3A_975 : i32 to vector<16xi32>
      %mul3A_977 = arith.muli %mul3A_976, %max3A_970 : vector<16xi32>
      %add3A_978 = arith.constant 1 : i32
      %add3A_979 = vector.broadcast %add3A_978 : i32 to vector<16xi32>
      %add3A_980 = arith.addi %mul3A_977, %add3A_979 : vector<16xi32>
      %gather3A_981 = tpu.vector_load_idx %arg6[%add3A_980] : memref<20000xf32, #tpu.memory_space<vmem>>[vector<16xi32>], vector<16xf32>,
      %add3A_982 = arith.addf %gather3A_974, %gather3A_981 : vector<16xf32>
      %mul3A_983 = arith.constant 2.000000e-01 : f32
      %mul3A_984 = vector.broadcast %mul3A_983 : f32 to vector<16xf32>
      %mul3A_985 = arith.mulf %mul3A_984, %add3A_982 : vector<16xf32>
      %max3A_986 = arith.maximumf %add3A_982, %mul3A_985 : vector<16xf32>
      %add3A_987 = arith.constant 416 : i32
      %add3A_988 = arith.addi %add3A_11, %add3A_987 : i32
      %iota3A_989 = tpu.iota {dimensions = array<i32: 0>} : vector<16xi32>
      %add3A_990 = vector.broadcast %add3A_988 : i32 to vector<16xi32>
      %add3A_991 = arith.addi %add3A_990, %iota3A_989 : vector<16xi32>
      %lt3A_992 = arith.constant 320000 : i32
      %lt3A_993 = vector.broadcast %lt3A_992 : i32 to vector<16xi32>
      %lt3A_994 = arith.cmpi slt, %add3A_991, %lt3A_993 : vector<16xi32>
      %exp3A_995 = math.exp %max3A_986 : vector<16xf32>
      %jit3A_996 = arith.constant 0.000000e+00 : f32
      %broadcast_in_dim3A_997 = vector.broadcast %jit3A_996 : f32 to vector<16xf32>
      %select_n3A_998 = arith.select %lt3A_994, %exp3A_995, %broadcast_in_dim3A_997 : vector<16xi1>, vector<16xf32>
      %swap3A_999 = arith.constant 416 : index
      %swap3A_1000 = tpu.vector_load %arg9[%swap3A_999] {strides = array<i32>} : memref<512xf32, #tpu.memory_space<vmem>>, vector<16xf32>,
      tpu.vector_store %arg9[%swap3A_999], %select_n3A_998 {strides = array<i32>} : memref<512xf32, #tpu.memory_space<vmem>>, vector<16xf32>,
      %get3A_1001 = arith.constant 432 : index
      %get3A_1002 = tpu.vector_load %arg7[%get3A_1001] {strides = array<i32>} : memref<512xi32, #tpu.memory_space<vmem>>, vector<16xi32>,
      %get3A_1003 = arith.constant 432 : index
      %get3A_1004 = tpu.vector_load %arg8[%get3A_1003] {strides = array<i32>} : memref<512xi32, #tpu.memory_space<vmem>>, vector<16xi32>,
      %max3A_1005 = arith.constant 0 : i32
      %max3A_1006 = vector.broadcast %max3A_1005 : i32 to vector<16xi32>
      %max3A_1007 = arith.maxsi %get3A_1004, %max3A_1006 : vector<16xi32>
      %mul3A_1008 = arith.constant 2 : i32
      %mul3A_1009 = vector.broadcast %mul3A_1008 : i32 to vector<16xi32>
      %mul3A_1010 = arith.muli %mul3A_1009, %get3A_1002 : vector<16xi32>
      %gather3A_1011 = tpu.vector_load_idx %arg6[%mul3A_1010] : memref<20000xf32, #tpu.memory_space<vmem>>[vector<16xi32>], vector<16xf32>,
      %mul3A_1012 = arith.constant 2 : i32
      %mul3A_1013 = vector.broadcast %mul3A_1012 : i32 to vector<16xi32>
      %mul3A_1014 = arith.muli %mul3A_1013, %max3A_1007 : vector<16xi32>
      %add3A_1015 = arith.constant 1 : i32
      %add3A_1016 = vector.broadcast %add3A_1015 : i32 to vector<16xi32>
      %add3A_1017 = arith.addi %mul3A_1014, %add3A_1016 : vector<16xi32>
      %gather3A_1018 = tpu.vector_load_idx %arg6[%add3A_1017] : memref<20000xf32, #tpu.memory_space<vmem>>[vector<16xi32>], vector<16xf32>,
      %add3A_1019 = arith.addf %gather3A_1011, %gather3A_1018 : vector<16xf32>
      %mul3A_1020 = arith.constant 2.000000e-01 : f32
      %mul3A_1021 = vector.broadcast %mul3A_1020 : f32 to vector<16xf32>
      %mul3A_1022 = arith.mulf %mul3A_1021, %add3A_1019 : vector<16xf32>
      %max3A_1023 = arith.maximumf %add3A_1019, %mul3A_1022 : vector<16xf32>
      %add3A_1024 = arith.constant 432 : i32
      %add3A_1025 = arith.addi %add3A_11, %add3A_1024 : i32
      %iota3A_1026 = tpu.iota {dimensions = array<i32: 0>} : vector<16xi32>
      %add3A_1027 = vector.broadcast %add3A_1025 : i32 to vector<16xi32>
      %add3A_1028 = arith.addi %add3A_1027, %iota3A_1026 : vector<16xi32>
      %lt3A_1029 = arith.constant 320000 : i32
      %lt3A_1030 = vector.broadcast %lt3A_1029 : i32 to vector<16xi32>
      %lt3A_1031 = arith.cmpi slt, %add3A_1028, %lt3A_1030 : vector<16xi32>
      %exp3A_1032 = math.exp %max3A_1023 : vector<16xf32>
      %jit3A_1033 = arith.constant 0.000000e+00 : f32
      %broadcast_in_dim3A_1034 = vector.broadcast %jit3A_1033 : f32 to vector<16xf32>
      %select_n3A_1035 = arith.select %lt3A_1031, %exp3A_1032, %broadcast_in_dim3A_1034 : vector<16xi1>, vector<16xf32>
      %swap3A_1036 = arith.constant 432 : index
      %swap3A_1037 = tpu.vector_load %arg9[%swap3A_1036] {strides = array<i32>} : memref<512xf32, #tpu.memory_space<vmem>>, vector<16xf32>,
      tpu.vector_store %arg9[%swap3A_1036], %select_n3A_1035 {strides = array<i32>} : memref<512xf32, #tpu.memory_space<vmem>>, vector<16xf32>,
      %get3A_1038 = arith.constant 448 : index
      %get3A_1039 = tpu.vector_load %arg7[%get3A_1038] {strides = array<i32>} : memref<512xi32, #tpu.memory_space<vmem>>, vector<16xi32>,
      %get3A_1040 = arith.constant 448 : index
      %get3A_1041 = tpu.vector_load %arg8[%get3A_1040] {strides = array<i32>} : memref<512xi32, #tpu.memory_space<vmem>>, vector<16xi32>,
      %max3A_1042 = arith.constant 0 : i32
      %max3A_1043 = vector.broadcast %max3A_1042 : i32 to vector<16xi32>
      %max3A_1044 = arith.maxsi %get3A_1041, %max3A_1043 : vector<16xi32>
      %mul3A_1045 = arith.constant 2 : i32
      %mul3A_1046 = vector.broadcast %mul3A_1045 : i32 to vector<16xi32>
      %mul3A_1047 = arith.muli %mul3A_1046, %get3A_1039 : vector<16xi32>
      %gather3A_1048 = tpu.vector_load_idx %arg6[%mul3A_1047] : memref<20000xf32, #tpu.memory_space<vmem>>[vector<16xi32>], vector<16xf32>,
      %mul3A_1049 = arith.constant 2 : i32
      %mul3A_1050 = vector.broadcast %mul3A_1049 : i32 to vector<16xi32>
      %mul3A_1051 = arith.muli %mul3A_1050, %max3A_1044 : vector<16xi32>
      %add3A_1052 = arith.constant 1 : i32
      %add3A_1053 = vector.broadcast %add3A_1052 : i32 to vector<16xi32>
      %add3A_1054 = arith.addi %mul3A_1051, %add3A_1053 : vector<16xi32>
      %gather3A_1055 = tpu.vector_load_idx %arg6[%add3A_1054] : memref<20000xf32, #tpu.memory_space<vmem>>[vector<16xi32>], vector<16xf32>,
      %add3A_1056 = arith.addf %gather3A_1048, %gather3A_1055 : vector<16xf32>
      %mul3A_1057 = arith.constant 2.000000e-01 : f32
      %mul3A_1058 = vector.broadcast %mul3A_1057 : f32 to vector<16xf32>
      %mul3A_1059 = arith.mulf %mul3A_1058, %add3A_1056 : vector<16xf32>
      %max3A_1060 = arith.maximumf %add3A_1056, %mul3A_1059 : vector<16xf32>
      %add3A_1061 = arith.constant 448 : i32
      %add3A_1062 = arith.addi %add3A_11, %add3A_1061 : i32
      %iota3A_1063 = tpu.iota {dimensions = array<i32: 0>} : vector<16xi32>
      %add3A_1064 = vector.broadcast %add3A_1062 : i32 to vector<16xi32>
      %add3A_1065 = arith.addi %add3A_1064, %iota3A_1063 : vector<16xi32>
      %lt3A_1066 = arith.constant 320000 : i32
      %lt3A_1067 = vector.broadcast %lt3A_1066 : i32 to vector<16xi32>
      %lt3A_1068 = arith.cmpi slt, %add3A_1065, %lt3A_1067 : vector<16xi32>
      %exp3A_1069 = math.exp %max3A_1060 : vector<16xf32>
      %jit3A_1070 = arith.constant 0.000000e+00 : f32
      %broadcast_in_dim3A_1071 = vector.broadcast %jit3A_1070 : f32 to vector<16xf32>
      %select_n3A_1072 = arith.select %lt3A_1068, %exp3A_1069, %broadcast_in_dim3A_1071 : vector<16xi1>, vector<16xf32>
      %swap3A_1073 = arith.constant 448 : index
      %swap3A_1074 = tpu.vector_load %arg9[%swap3A_1073] {strides = array<i32>} : memref<512xf32, #tpu.memory_space<vmem>>, vector<16xf32>,
      tpu.vector_store %arg9[%swap3A_1073], %select_n3A_1072 {strides = array<i32>} : memref<512xf32, #tpu.memory_space<vmem>>, vector<16xf32>,
      %get3A_1075 = arith.constant 464 : index
      %get3A_1076 = tpu.vector_load %arg7[%get3A_1075] {strides = array<i32>} : memref<512xi32, #tpu.memory_space<vmem>>, vector<16xi32>,
      %get3A_1077 = arith.constant 464 : index
      %get3A_1078 = tpu.vector_load %arg8[%get3A_1077] {strides = array<i32>} : memref<512xi32, #tpu.memory_space<vmem>>, vector<16xi32>,
      %max3A_1079 = arith.constant 0 : i32
      %max3A_1080 = vector.broadcast %max3A_1079 : i32 to vector<16xi32>
      %max3A_1081 = arith.maxsi %get3A_1078, %max3A_1080 : vector<16xi32>
      %mul3A_1082 = arith.constant 2 : i32
      %mul3A_1083 = vector.broadcast %mul3A_1082 : i32 to vector<16xi32>
      %mul3A_1084 = arith.muli %mul3A_1083, %get3A_1076 : vector<16xi32>
      %gather3A_1085 = tpu.vector_load_idx %arg6[%mul3A_1084] : memref<20000xf32, #tpu.memory_space<vmem>>[vector<16xi32>], vector<16xf32>,
      %mul3A_1086 = arith.constant 2 : i32
      %mul3A_1087 = vector.broadcast %mul3A_1086 : i32 to vector<16xi32>
      %mul3A_1088 = arith.muli %mul3A_1087, %max3A_1081 : vector<16xi32>
      %add3A_1089 = arith.constant 1 : i32
      %add3A_1090 = vector.broadcast %add3A_1089 : i32 to vector<16xi32>
      %add3A_1091 = arith.addi %mul3A_1088, %add3A_1090 : vector<16xi32>
      %gather3A_1092 = tpu.vector_load_idx %arg6[%add3A_1091] : memref<20000xf32, #tpu.memory_space<vmem>>[vector<16xi32>], vector<16xf32>,
      %add3A_1093 = arith.addf %gather3A_1085, %gather3A_1092 : vector<16xf32>
      %mul3A_1094 = arith.constant 2.000000e-01 : f32
      %mul3A_1095 = vector.broadcast %mul3A_1094 : f32 to vector<16xf32>
      %mul3A_1096 = arith.mulf %mul3A_1095, %add3A_1093 : vector<16xf32>
      %max3A_1097 = arith.maximumf %add3A_1093, %mul3A_1096 : vector<16xf32>
      %add3A_1098 = arith.constant 464 : i32
      %add3A_1099 = arith.addi %add3A_11, %add3A_1098 : i32
      %iota3A_1100 = tpu.iota {dimensions = array<i32: 0>} : vector<16xi32>
      %add3A_1101 = vector.broadcast %add3A_1099 : i32 to vector<16xi32>
      %add3A_1102 = arith.addi %add3A_1101, %iota3A_1100 : vector<16xi32>
      %lt3A_1103 = arith.constant 320000 : i32
      %lt3A_1104 = vector.broadcast %lt3A_1103 : i32 to vector<16xi32>
      %lt3A_1105 = arith.cmpi slt, %add3A_1102, %lt3A_1104 : vector<16xi32>
      %exp3A_1106 = math.exp %max3A_1097 : vector<16xf32>
      %jit3A_1107 = arith.constant 0.000000e+00 : f32
      %broadcast_in_dim3A_1108 = vector.broadcast %jit3A_1107 : f32 to vector<16xf32>
      %select_n3A_1109 = arith.select %lt3A_1105, %exp3A_1106, %broadcast_in_dim3A_1108 : vector<16xi1>, vector<16xf32>
      %swap3A_1110 = arith.constant 464 : index
      %swap3A_1111 = tpu.vector_load %arg9[%swap3A_1110] {strides = array<i32>} : memref<512xf32, #tpu.memory_space<vmem>>, vector<16xf32>,
      tpu.vector_store %arg9[%swap3A_1110], %select_n3A_1109 {strides = array<i32>} : memref<512xf32, #tpu.memory_space<vmem>>, vector<16xf32>,
      %get3A_1112 = arith.constant 480 : index
      %get3A_1113 = tpu.vector_load %arg7[%get3A_1112] {strides = array<i32>} : memref<512xi32, #tpu.memory_space<vmem>>, vector<16xi32>,
      %get3A_1114 = arith.constant 480 : index
      %get3A_1115 = tpu.vector_load %arg8[%get3A_1114] {strides = array<i32>} : memref<512xi32, #tpu.memory_space<vmem>>, vector<16xi32>,
      %max3A_1116 = arith.constant 0 : i32
      %max3A_1117 = vector.broadcast %max3A_1116 : i32 to vector<16xi32>
      %max3A_1118 = arith.maxsi %get3A_1115, %max3A_1117 : vector<16xi32>
      %mul3A_1119 = arith.constant 2 : i32
      %mul3A_1120 = vector.broadcast %mul3A_1119 : i32 to vector<16xi32>
      %mul3A_1121 = arith.muli %mul3A_1120, %get3A_1113 : vector<16xi32>
      %gather3A_1122 = tpu.vector_load_idx %arg6[%mul3A_1121] : memref<20000xf32, #tpu.memory_space<vmem>>[vector<16xi32>], vector<16xf32>,
      %mul3A_1123 = arith.constant 2 : i32
      %mul3A_1124 = vector.broadcast %mul3A_1123 : i32 to vector<16xi32>
      %mul3A_1125 = arith.muli %mul3A_1124, %max3A_1118 : vector<16xi32>
      %add3A_1126 = arith.constant 1 : i32
      %add3A_1127 = vector.broadcast %add3A_1126 : i32 to vector<16xi32>
      %add3A_1128 = arith.addi %mul3A_1125, %add3A_1127 : vector<16xi32>
      %gather3A_1129 = tpu.vector_load_idx %arg6[%add3A_1128] : memref<20000xf32, #tpu.memory_space<vmem>>[vector<16xi32>], vector<16xf32>,
      %add3A_1130 = arith.addf %gather3A_1122, %gather3A_1129 : vector<16xf32>
      %mul3A_1131 = arith.constant 2.000000e-01 : f32
      %mul3A_1132 = vector.broadcast %mul3A_1131 : f32 to vector<16xf32>
      %mul3A_1133 = arith.mulf %mul3A_1132, %add3A_1130 : vector<16xf32>
      %max3A_1134 = arith.maximumf %add3A_1130, %mul3A_1133 : vector<16xf32>
      %add3A_1135 = arith.constant 480 : i32
      %add3A_1136 = arith.addi %add3A_11, %add3A_1135 : i32
      %iota3A_1137 = tpu.iota {dimensions = array<i32: 0>} : vector<16xi32>
      %add3A_1138 = vector.broadcast %add3A_1136 : i32 to vector<16xi32>
      %add3A_1139 = arith.addi %add3A_1138, %iota3A_1137 : vector<16xi32>
      %lt3A_1140 = arith.constant 320000 : i32
      %lt3A_1141 = vector.broadcast %lt3A_1140 : i32 to vector<16xi32>
      %lt3A_1142 = arith.cmpi slt, %add3A_1139, %lt3A_1141 : vector<16xi32>
      %exp3A_1143 = math.exp %max3A_1134 : vector<16xf32>
      %jit3A_1144 = arith.constant 0.000000e+00 : f32
      %broadcast_in_dim3A_1145 = vector.broadcast %jit3A_1144 : f32 to vector<16xf32>
      %select_n3A_1146 = arith.select %lt3A_1142, %exp3A_1143, %broadcast_in_dim3A_1145 : vector<16xi1>, vector<16xf32>
      %swap3A_1147 = arith.constant 480 : index
      %swap3A_1148 = tpu.vector_load %arg9[%swap3A_1147] {strides = array<i32>} : memref<512xf32, #tpu.memory_space<vmem>>, vector<16xf32>,
      tpu.vector_store %arg9[%swap3A_1147], %select_n3A_1146 {strides = array<i32>} : memref<512xf32, #tpu.memory_space<vmem>>, vector<16xf32>,
      %get3A_1149 = arith.constant 496 : index
      %get3A_1150 = tpu.vector_load %arg7[%get3A_1149] {strides = array<i32>} : memref<512xi32, #tpu.memory_space<vmem>>, vector<16xi32>,
      %get3A_1151 = arith.constant 496 : index
      %get3A_1152 = tpu.vector_load %arg8[%get3A_1151] {strides = array<i32>} : memref<512xi32, #tpu.memory_space<vmem>>, vector<16xi32>,
      %max3A_1153 = arith.constant 0 : i32
      %max3A_1154 = vector.broadcast %max3A_1153 : i32 to vector<16xi32>
      %max3A_1155 = arith.maxsi %get3A_1152, %max3A_1154 : vector<16xi32>
      %mul3A_1156 = arith.constant 2 : i32
      %mul3A_1157 = vector.broadcast %mul3A_1156 : i32 to vector<16xi32>
      %mul3A_1158 = arith.muli %mul3A_1157, %get3A_1150 : vector<16xi32>
      %gather3A_1159 = tpu.vector_load_idx %arg6[%mul3A_1158] : memref<20000xf32, #tpu.memory_space<vmem>>[vector<16xi32>], vector<16xf32>,
      %mul3A_1160 = arith.constant 2 : i32
      %mul3A_1161 = vector.broadcast %mul3A_1160 : i32 to vector<16xi32>
      %mul3A_1162 = arith.muli %mul3A_1161, %max3A_1155 : vector<16xi32>
      %add3A_1163 = arith.constant 1 : i32
      %add3A_1164 = vector.broadcast %add3A_1163 : i32 to vector<16xi32>
      %add3A_1165 = arith.addi %mul3A_1162, %add3A_1164 : vector<16xi32>
      %gather3A_1166 = tpu.vector_load_idx %arg6[%add3A_1165] : memref<20000xf32, #tpu.memory_space<vmem>>[vector<16xi32>], vector<16xf32>,
      %add3A_1167 = arith.addf %gather3A_1159, %gather3A_1166 : vector<16xf32>
      %mul3A_1168 = arith.constant 2.000000e-01 : f32
      %mul3A_1169 = vector.broadcast %mul3A_1168 : f32 to vector<16xf32>
      %mul3A_1170 = arith.mulf %mul3A_1169, %add3A_1167 : vector<16xf32>
      %max3A_1171 = arith.maximumf %add3A_1167, %mul3A_1170 : vector<16xf32>
      %add3A_1172 = arith.constant 496 : i32
      %add3A_1173 = arith.addi %add3A_11, %add3A_1172 : i32
      %iota3A_1174 = tpu.iota {dimensions = array<i32: 0>} : vector<16xi32>
      %add3A_1175 = vector.broadcast %add3A_1173 : i32 to vector<16xi32>
      %add3A_1176 = arith.addi %add3A_1175, %iota3A_1174 : vector<16xi32>
      %lt3A_1177 = arith.constant 320000 : i32
      %lt3A_1178 = vector.broadcast %lt3A_1177 : i32 to vector<16xi32>
      %lt3A_1179 = arith.cmpi slt, %add3A_1176, %lt3A_1178 : vector<16xi32>
      %exp3A_1180 = math.exp %max3A_1171 : vector<16xf32>
      %jit3A_1181 = arith.constant 0.000000e+00 : f32
      %broadcast_in_dim3A_1182 = vector.broadcast %jit3A_1181 : f32 to vector<16xf32>
      %select_n3A_1183 = arith.select %lt3A_1179, %exp3A_1180, %broadcast_in_dim3A_1182 : vector<16xi1>, vector<16xf32>
      %swap3A_1184 = arith.constant 496 : index
      %swap3A_1185 = tpu.vector_load %arg9[%swap3A_1184] {strides = array<i32>} : memref<512xf32, #tpu.memory_space<vmem>>, vector<16xf32>,
      tpu.vector_store %arg9[%swap3A_1184], %select_n3A_1183 {strides = array<i32>} : memref<512xf32, #tpu.memory_space<vmem>>, vector<16xf32>,
      "tpu.region"() ({
        %run_scoped3A = tpu.sem_alloc : memref<!tpu.dma_semaphore, #tpu.memory_space<semaphore_mem>>
        %dma_start3A = tpu.memref_slice %arg5[%add3A_11] : memref<327680xf32, #tpu.memory_space<hbm>> -> memref<512xf32, #tpu.memory_space<hbm>>
        %dma_start3A_1186 = tpu.memref_slice %arg5[%add3A_11] : memref<327680xf32, #tpu.memory_space<hbm>> -> memref<512xf32, #tpu.memory_space<hbm>>
        tpu.enqueue_dma source(%arg9 : memref<512xf32, #tpu.memory_space<vmem>>) target(%dma_start3A_1186 : memref<512xf32, #tpu.memory_space<hbm>>) target_semaphore(%run_scoped3A : memref<!tpu.dma_semaphore, #tpu.memory_space<semaphore_mem>>)
        %dma_wait3A = tpu.memref_slice %arg5[%add3A_11] : memref<327680xf32, #tpu.memory_space<hbm>> -> memref<512xf32, #tpu.memory_space<hbm>>
        %dma_wait3A_1187 = tpu.memref_slice %arg5[%add3A_11] : memref<327680xf32, #tpu.memory_space<hbm>> -> memref<512xf32, #tpu.memory_space<hbm>>
        tpu.wait_dma2 semaphore(%run_scoped3A : memref<!tpu.dma_semaphore, #tpu.memory_space<semaphore_mem>>) src(%arg9 : memref<512xf32, #tpu.memory_space<vmem>>) dst(%dma_wait3A_1187 : memref<512xf32, #tpu.memory_space<hbm>>)
        tpu.yield
      }) : () -> ()
    }
    %scan3A_7 = arith.constant 20 : i32
    return
  }
}

</mosaic_0001>

<sc_bundles>
// kernel: _sc_ex.3.cloned.1.call-start
scs
__scs_entry_jumppad:
0x0: {  	(pc) =	sbr.rel $0x88, $3  }
0x1: {  	(tag) =	ssettag $0x0;
	lr =	simm.s32 $0x1  }
0x2: {  	[smem:$0x3F9E] =	sst lr;
	_ =	strace $0xD0000000  }
0x3: {  	_ = 	snop  }
0x4: {  	_ = 	snop  }
0x5: {  	_ = 	snop  }
0x6: {  	_ = 	snop  }
0x7: {  	_ = 	snop  }
__scs_overlays_trampoline_lowered:
0x8: {  	[smem:$0x3FAD] =	sst s0  }
0x9: {  	[smem:$0x3FAE] =	sst s1  }
0xa: {  	[smem:$0x3FAF] =	sst s2  }
0xb: {  	[smem:$0x3FB0] =	sst s3  }
0xc: {  	[smem:$0x3FB1] =	sst s4  }
0xd: {  	[smem:$0x3FB2] =	sst s5  }
0xe: {  	[smem:$0x3FB3] =	sst s6  }
0xf: {  	[smem:$0x3FB4] =	sst s7  }
0x10: {  	[smem:$0x3FB5] =	sst s8  }
0x11: {  	[smem:$0x3FB6] =	sst s9;
	s0 =	simm.s32 @!p0 $0x0  }
0x12: {  	s1 =	sld [smem:$0x3F9C];
	s0 =	simm.s32 @p0 $0x1  }
0x13: {  	[smem:$0x3FB7] =	sst s0;
	s0 =	simm.s32 @!p1 $0x0  }
0x14: {  	s2 =	sld [smem:$0x3F9B];
	s0 =	simm.s32 @p1 $0x1  }
0x15: {  	[smem:$0x3FB8] =	sst s0;
	s0 =	simm.s32 @!p2 $0x0  }
0x16: {  	s3 =	sld [smem:$0x3FDB];
	s0 =	simm.s32 @p2 $0x1  }
0x17: {  	s4 =	simm.s32 $0x1BF5;
	[smem:$0x3FBA] =	sst s0  }
0x18: {  	s0 =	sld [smem:$0x3F9D];
	_ =	swait.ge [sflag:s4], $0x0  }
0x19: {  	s7 =	sld [smem:$0x3F9E]  }
0x1a: {  	s8 =	sadd.s32 $0xFFFFE003, lr  }
0x1b: {  	s9 =	sadd.s32 $0xFFFFFEF7, lr;
	s5 =	simm.s32 $0xFFFFFFFF;
	p2 =	slt.u32 s8, $0xFFFFF086  }
0x1c: {  	p1 =	slt.u32 s9, $0xF7A;
	s5 =	simm.s32 @!p2 $0x0  }
0x1d: {  	s5 =	simm.s32 @p1 $0x1;
	p0 =	seq.s32 s7, s2  }
0x1e: {  	s7 =	smul.u32 @!p0 $0xF7A, s2;
	p2 =	seq.s32 @!p0 s5, $0x0  }
0x1f: {  	s9 =	smul.u32 $0xF7A, s1;
	s8 =	simm.s32 @!p0 $0x1BF5;
	p2 =	por !p2, p0  }
0x20: {  	[sflag:s8] =	ssyncset.s32 @!p0 $0xFFFFF086;
	s6 =	sadd.s32 @!p0 s3, s7;
	s7 =	simm.s32 @!p0 $0x108  }
0x21: {  	s3 =	sadd.s32 s3, s9;
	s6 =	sadd.s32 @!p0 $0x88, s6;
	s7 =	simm.s32 @p2 $0x1082  }
0x22: {  	[simem:s7], [sflag:s8] =	dma.local @!p0 [hbm:s6], $0xF7A  }
0x23: {  	s9 =	sor.u32 $0xD0000000, s2;
	s6 =	simm.s32 $0x108;
	_ =	swait.ge @!p0 [sflag:s8], $0x0  }
0x24: {  	s3 =	sadd.s32 $0x88, s3;
	s6 =	simm.s32 @!p1 $0x1082;
	[sflag:s4] =	ssyncset.s32 $0xFFFFF086  }
0x25: {  	[simem:s6], [sflag:s4] =	dma.local [hbm:s3], $0xF7A  }
0x26: {  	[smem:$0x3F9E] =	sst s1;
	(tag) =	ssettag s2;
	_ =	strace s9  }
0x27: {  	s1 =	sld [smem:$0x3FAE]  }
0x28: {  	s2 =	sld [smem:$0x3FAF]  }
0x29: {  	s4 =	sld [smem:$0x3FB1]  }
0x2a: {  	p0 =	seq.s32 s5, $0x0;
	s5 =	sld [smem:$0x3FB2]  }
0x2b: {  	s6 =	sld [smem:$0x3FB3]  }
0x2c: {  	s7 =	sld [smem:$0x3FB4]  }
0x2d: {  	s3 =	simm.s32 $0x108;
	s8 =	sld [smem:$0x3FB5]  }
0x2e: {  	s3 =	simm.s32 @!p0 $0x1082;
	s9 =	sld [smem:$0x3FB6]  }
0x2f: {  	lr =	sadd.s32 s0, s3;
	s0 =	sld [smem:$0x3FAD]  }
0x30: {  	s3 =	sld [smem:$0x3FB0]  }
0x31: {  	[smem:$0x3FB9] =	sst s10  }
0x32: {  	s10 =	sld [smem:$0x3FB7];
	_ =	sdelay $0x3  }
0x33: {  	p0 =	seq.s32 s10, $0x1;
	s10 =	sld [smem:$0x3FB9];
	_ =	sdelay $0x3  }
0x34: {  	[smem:$0x3FB9] =	sst s10  }
0x35: {  	s10 =	sld [smem:$0x3FB8];
	_ =	sdelay $0x3  }
0x36: {  	p1 =	seq.s32 s10, $0x1;
	s10 =	sld [smem:$0x3FB9];
	_ =	sdelay $0x3  }
0x37: {  	[smem:$0x3FB9] =	sst s10  }
0x38: {  	s10 =	sld [smem:$0x3FBA]  }
0x39: {  	_ = 	snop;
	(pc) =	sbr.ind lr, $3  }
0x3a: {  	_ = 	snop  }
0x3b: {  	_ = 	snop  }
0x3c: {  	p2 =	seq.s32 s10, $0x1;
	s10 =	sld [smem:$0x3FB9]  }
0x3d: {  	_ =	shalt  }
0x3e: {  	_ =	shalt  }
0x3f: {  	_ =	shalt  }
0x40: {  	_ =	shalt  }
0x41: {  	_ =	shalt  }
0x42: {  	_ =	shalt  }
0x43: {  	_ =	shalt  }
0x44: {  	_ =	shalt  }
0x45: {  	_ =	shalt  }
0x46: {  	_ =	shalt  }
0x47: {  	_ =	shalt  }
0x48: {  	_ =	shalt  }
0x49: {  	_ =	shalt  }
0x4a: {  	_ =	shalt  }
0x4b: {  	_ =	shalt  }
0x4c: {  	_ =	shalt  }
0x4d: {  	_ =	shalt  }
0x4e: {  	_ =	shalt  }
0x4f: {  	_ =	shalt  }
0x50: {  	_ =	shalt  }
0x51: {  	_ =	shalt  }
0x52: {  	_ =	shalt  }
0x53: {  	_ =	shalt  }
0x54: {  	_ =	shalt  }
0x55: {  	_ =	shalt  }
0x56: {  	_ =	shalt  }
0x57: {  	_ =	shalt  }
0x58: {  	_ =	shalt  }
0x59: {  	_ =	shalt  }
0x5a: {  	_ =	shalt  }
0x5b: {  	_ =	shalt  }
0x5c: {  	_ =	shalt  }
0x5d: {  	_ =	shalt  }
0x5e: {  	_ =	shalt  }
0x5f: {  	_ =	shalt  }
0x60: {  	_ =	shalt  }
0x61: {  	_ =	shalt  }
0x62: {  	_ =	shalt  }
0x63: {  	_ =	shalt  }
0x64: {  	_ =	shalt  }
0x65: {  	_ =	shalt  }
0x66: {  	_ =	shalt  }
0x67: {  	_ =	shalt  }
0x68: {  	_ =	shalt  }
0x69: {  	_ =	shalt  }
0x6a: {  	_ =	shalt  }
0x6b: {  	_ =	shalt  }
0x6c: {  	_ =	shalt  }
0x6d: {  	_ =	shalt  }
0x6e: {  	_ =	shalt  }
0x6f: {  	_ =	shalt  }
0x70: {  	_ =	shalt  }
0x71: {  	_ =	shalt  }
0x72: {  	_ =	shalt  }
0x73: {  	_ =	shalt  }
0x74: {  	_ =	shalt  }
0x75: {  	_ =	shalt  }
0x76: {  	_ =	shalt  }
0x77: {  	_ =	shalt  }
0x78: {  	_ =	shalt  }
0x79: {  	_ =	shalt  }
0x7a: {  	_ =	shalt  }
0x7b: {  	_ =	shalt  }
0x7c: {  	_ =	shalt  }
0x7d: {  	_ =	shalt  }
0x7e: {  	_ =	shalt  }
0x7f: {  	_ =	shalt  }
0x80: {  	_ =	shalt  }
0x81: {  	_ =	shalt  }
0x82: {  	_ =	shalt  }
0x83: {  	_ =	shalt  }
0x84: {  	_ =	shalt  }
0x85: {  	_ =	shalt  }
0x86: {  	_ =	shalt  }
0x87: {  	_ =	shalt  }
.Lfunc_end0:
.L_simem_size_0:
called_computation_lowered:
.L_overlay_start_0:
0x88: {  	s2 =	sld [smem:$0x3FD9]  }
0x89: {  	s3 =	sld [smem:$0x3FFE];
	_ =	sdelay $0x1  }
0x8a: {  	s1 =	srdreg.scid  }
0x8b: {  	s0 =	sand.u32 $0x1, s1  }
0x8c: {  	s18 =	sshll.u32 s0, $0xA;
	s2 =	sadd.s32 s3, s2  }
0x8d: {  	s2 =	sadd.s32 s2, s18  }
0x8e: {  	[smem:$0x3FC5] =	sst s2  }
0x8f: {  	_ = 	snop  }
0x90: {  	s2 =	sld [smem:$0x3FC9]  }
0x91: {  	s19 =	sld [smem:$0x3FC8]  }
0x92: {  	s4 =	sld [smem:$0x3FC7]  }
0x93: {  	s5 =	sld [smem:$0x3FD0];
	(tm) =	ssettm $0x1  }
0x94: {  	s6 =	sld [smem:$0x3FFB];
	_ =	sdelay $0x3  }
0x95: {  	_ =	strace s6  }
0x96: {  	s6 =	sld [smem:$0x3FFC];
	_ =	sdelay $0x3  }
0x97: {  	_ =	strace s6  }
0x98: {  	s6 =	sld [smem:$0x3FFD];
	_ =	sdelay $0x3  }
0x99: {  	_ =	strace s6  }
0x9a: {  	_ =	strace $0x8FFFFFFF  }
0x9b: {  	s20 =	sld [smem:$0x3FDB];
	_ =	sdelay $0x1  }
0x9c: {  	s7 =	simm.s32 $_scs_section_size  }
0x9d: {  	s8 =	simm.s32 $_size__tile_overlayer_lowered;
	s9 =	simm.s32 $_tile_overlayer_lowered  }
0x9e: {  	s23 =	simm.s32 $0x1BFF;
	s22 =	sshll.u32 s9, $0x1;
	s6 =	sadd.s32 s7, s20  }
0x9f: {  	s10 =	simm.s32 $0x0;
	s21 =	sshll.u32 s8, $0x1;
	s8 =	sadd.s32 s22, s6  }
0xa0: {  	[timem:s10], [sflag:s23] =	dma.local [hbm:s8], s21  }
0xa1: {  	_ =	swait.ge [sflag:s23], s21  }
0xa2: {  	s7 =	ssub.s32 $0x0, s21;
	[sflag:s23] =	ssyncset.done $0x0  }
0xa3: {  	[sflag:s23] =	ssyncadd.s32 s7;
	_ =	sdelay $0x1  }
0xa4: {  	s24 =	simm.s32 $0x1B8B  }
0xa5: {  	_ =	swait.ge [sflag:s24], $0x1  }
0xa6: {  	[sflag:s24] =	ssyncset.done $0x0  }
0xa7: {  	s25 =	simm.s32 $0x1B8E;
	[sflag:s24] =	ssyncadd.s32 $0xFFFFFFFF  }
0xa8: {  	s26 =	simm.s32 $execute0_lowered;
	[smem:$0x3FD2] =	sst s25  }
0xa9: {  	s7 =	sshll.u32 s26, $0x1;
	_ =	strace $0x80000046;
	[dreg:$0x1] =	wrdreg $0xFFFFFFFF  }
0xaa: {  	s28 =	simm.s32 $_size_execute0_lowered;
	s6 =	sadd.s32 s6, s7;
	[dreg:$0x0] =	wrdreg $0x0  }
0xab: {  	s7 =	sshll.u32 s28, $0x1;
	[dreg:$0x2] =	wrdreg s6  }
0xac: {  	[dreg:$0x3] =	wrdreg s7  }
0xad: {  	[dreg:$0x4] =	wrdreg $0xC0  }
0xae: {  	_ =	task [dreg:s10], $0x5FFFF  }
0xaf: {  	[dreg:$0x1] =	wrdreg $0xFFFFFFFF  }
0xb0: {  	[dreg:$0x0] =	wrdreg $0x60  }
0xb1: {  	[dreg:$0x2] =	wrdreg s2  }
0xb2: {  	[dreg:$0x3] =	wrdreg s19  }
0xb3: {  	[dreg:$0x4] =	wrdreg s4  }
0xb4: {  	[dreg:$0x5] =	wrdreg s5  }
0xb5: {  	[dreg:$0x6] =	wrdreg $0x9  }
0xb6: {  	_ =	task.clear_ibuf [dreg:s10], $0x7FFFF;
	_ =	strace $0x90000046  }
0xb7: {  	s29 =	simm.s32 $0x9;
	_ =	strace $0x80000048  }
0xb8: {  	_ =	swait.ge [sflag:s29], $0x1  }
0xb9: {  	[sflag:s29] =	ssyncadd.s32 $0xFFFFFFFF  }
0xba: {  	_ =	strace $0x90000048  }
0xbb: {  	_ =	sfence  }
0xbc: {  	s30 =	sld [smem:$0x0];
	_ =	sdelay $0x2  }
0xbd: {  	s31 =	sshll.u32 s1, $0xD;
	s1 =	sshrl.u32 s1, $0x2  }
0xbe: {  	s3 =	sand.u32 $0x4000, s31;
	s1 =	sadd.s32 s1, s30  }
0xbf: {  	s0 =	sor.u32 s3, s0;
	s1 =	sshll.u32 s1, $0x11  }
0xc0: {  	s0 =	sor.u32 s1, s0  }
0xc1: {  	s0 =	sadd.s32 $0x8F2B, s0  }
0xc2: {  	[sflag:s0] =	ssyncadd.remote.s32 $0x1  }
0xc3: {  	_ =	sfence.sel $0xFFFF  }
0xc4: {  	[dreg:$0x0] =	wrdreg $0xFFFFFFFF;
	(pc) =	sbr.abs _section_cstart, $3  }
0xc5: {  	[dreg:$0x1] =	wrdreg $0xFFFFFFFF  }
0xc6: {  	_ =	task.clear_ibuf [dreg:s10], $0x2FFFF;
	_ =	strace $0x9FFFFFFF  }
0xc7: {  	(tm) =	ssettm $0x7FFFFFFF  }
tec
execute0_lowered:
.L_overlay_start_1:
0x0: {  	(tag) =	ssettag $0x1  }
0x1: {  	s0 =	rddreg [dreg:$0x0]  }
0x2: {  	s8 =	rddreg [dreg:$0x1]  }
0x3: {  	s7 =	rddreg [dreg:$0x2]  }
0x4: {  	s6 =	rddreg [dreg:$0x3]  }
0x5: {  	s1 =	srdreg.scid;
	s2 =	rddreg [dreg:$0x4]  }
0x6: {  	s3 =	simm.s32 $0x0;
	s29 =	simm.s32 $0x4E20;
	s4 =	sand.u32 $0x1, s1  }
0x7: {  	s30 =	simm.s32 $0x5020;
	s1 =	stileid.u32;
	s5 =	smul.u32 $0x28000, s4  }
0x8: {  	s31 =	simm.s32 $0x5220;
	[smem:$0x7FF] =	sst s3;
	s9 =	smul.u32 $0x2800, s1  }
0x9: {  	s10 =	ssub.s32 $0x2, s4;
	_ =	strace $0x80000047;
	[dreg:$0x5] =	wrdreg s29  }
0xa: {  	[dreg:$0x6] =	wrdreg s30;
	s11 =	sshrl.u32 s10, $0x1;
	s4 =	sadd.s32 s9, s5  }
0xb: {  	[dreg:$0x7] =	wrdreg s31;
	s28 =	ssub.s32 s10, s11;
	s9 =	sshrl.u32 s4, $0x3  }
0xc: {  	s10 =	simm.s32 $0x0;
	s5 =	smax.u32 s28, $0x1;
	s6 =	sadd.s32 s9, s6  }
0xd: {  	s7 =	sadd.s32 s9, s7;
	s8 =	sadd.s32 s9, s8;
	s9 =	simm.s32 $0x1  }
.LBB2_1:
0xe: {  	[tilespmem:s3], [sflag:$0x1] =	stream.linear.gather [hbm4b:s0+s3], $0x4E20, $0x38;
	[tilespmem:$0x5420] =	vst v63  }
0xf: {  	_ =	swait.ge [sflag:s9], $0x4E20  }
0x10: {  	s11 =	smov.u32 s8;
	s12 =	smov.u32 s7;
	[sflag:s9] =	ssyncset.done $0x0  }
0x11: {  	s13 =	smov.u32 s6;
	s14 =	simm.s32 $0x0;
	[sflag:s9] =	ssyncadd.s32 $0xFFFFB1E0  }
.LBB2_2:
0x12: {  	s15 =	rddreg [dreg:$0x5]  }
0x13: {  	[tilespmem:s15], [sflag:$0x1] =	stream.linear.gather [hbm4b:s11+s3], $0x200, $0x38;
	[tilespmem:$0x5420] =	vst v63  }
0x14: {  	_ =	swait.ge [sflag:s9], $0x200  }
0x15: {  	[sflag:s9] =	ssyncset.done $0x0  }
0x16: {  	s29 =	rddreg [dreg:$0x6];
	[sflag:s9] =	ssyncadd.s32 $0xFFFFFE00  }
0x17: {  	[tilespmem:s29], [sflag:$0x1] =	stream.linear.gather [hbm4b:s12+s3], $0x200, $0x38;
	[tilespmem:$0x5420] =	vst v63  }
0x18: {  	_ =	swait.ge [sflag:s9], $0x200  }
0x19: {  	[sflag:s9] =	ssyncset.done $0x0  }
0x1a: {  	[sflag:s9] =	ssyncadd.s32 $0xFFFFFE00  }
0x1b: {  	v0 =	vld [tilespmem:$0x5020];
	_ =	sdelay $0x1  }
0x1c: {  	v1 =	vld [tilespmem:$0x4E20];
	_ =	sdelay $0x2  }
0x1d: {  	vm0 =	vgt.s32 v0, $0x0  }
0x1e: {  	v0 =	vnsel vm0, $0x0, v0  }
0x1f: {  	v1 =	vshll.u32 v1, $0x1;
	v0 =	vshll.u32 v0, $0x1  }
0x20: {  	v0 =	vor.u32 $0x1, v0;
	_ =	sdelay $0x3  }
0x21: {  	v1 =	vld.idx.msk [tilespmem:v1+s3+$0x0], $0xffff  }
0x22: {  	v0 =	vld.idx.msk [tilespmem:v0+s3+$0x0], $0xffff;
	_ =	sdelay $0x4  }
0x23: {  	v0 =	vadd.f32 v0, v1;
	_ =	sdelay $0x1  }
0x24: {  	v1 =	vmul.f32 $2.000000030e-01, v0;
	_ =	sdelay $0x1  }
0x25: {  	v0 =	vmax.f32 v0, v1  }
0x26: {  	v0 =	vmul.f32 $1.442695020e+00, v0;
	_ =	sdelay $0x1  }
0x27: {  	v32 =	vld [tilespmem:$0x5030];
	(erf) = vpow2.f32 v0;
	_ =	sdelay $0x1  }
0x28: {  	v33 =	vld [tilespmem:$0x4E30];
	_ =	sdelay $0x2  }
0x29: {  	vm9 =	vgt.s32 v32, $0x0  }
0x2a: {  	v0 =	vnsel vm9, $0x0, v32  }
0x2b: {  	v1 =	vshll.u32 v33, $0x1;
	v0 =	vshll.u32 v0, $0x1  }
0x2c: {  	s15 =	sadd.s32 s14, s4;
	v0 =	vor.u32 $0x1, v0  }
0x2d: {  	p0 =	slt.u32 s15, $0x4E200;
	v2 =	vpop (erf)  }
0x2e: {  	v2 =	vpsel !p0, $0x0, v2  }
0x2f: {  	[tilespmem:$0x5220] =	vst v2  }
0x30: {  	v1 =	vld.idx.msk [tilespmem:v1+s3+$0x0], $0xffff  }
0x31: {  	v0 =	vld.idx.msk [tilespmem:v0+s3+$0x0], $0xffff;
	_ =	sdelay $0x4  }
0x32: {  	v0 =	vadd.f32 v0, v1;
	_ =	sdelay $0x1  }
0x33: {  	v1 =	vmul.f32 $2.000000030e-01, v0;
	_ =	sdelay $0x1  }
0x34: {  	v0 =	vmax.f32 v0, v1  }
0x35: {  	v0 =	vmul.f32 $1.442695020e+00, v0;
	_ =	sdelay $0x1  }
0x36: {  	v34 =	vld [tilespmem:$0x5040];
	(erf) = vpow2.f32 v0;
	_ =	sdelay $0x1  }
0x37: {  	v35 =	vld [tilespmem:$0x4E40];
	_ =	sdelay $0x2  }
0x38: {  	vm10 =	vgt.s32 v34, $0x0  }
0x39: {  	v0 =	vnsel vm10, $0x0, v34  }
0x3a: {  	v1 =	vshll.u32 v35, $0x1;
	v0 =	vshll.u32 v0, $0x1  }
0x3b: {  	s16 =	sadd.s32 $0x10, s15;
	v0 =	vor.u32 $0x1, v0  }
0x3c: {  	p6 =	slt.u32 s16, $0x4E200;
	v36 =	vpop (erf)  }
0x3d: {  	v2 =	vpsel !p6, $0x0, v36  }
0x3e: {  	[tilespmem:$0x5230] =	vst v2  }
0x3f: {  	v1 =	vld.idx.msk [tilespmem:v1+s3+$0x0], $0xffff  }
0x40: {  	v0 =	vld.idx.msk [tilespmem:v0+s3+$0x0], $0xffff;
	_ =	sdelay $0x4  }
0x41: {  	v0 =	vadd.f32 v0, v1;
	_ =	sdelay $0x1  }
0x42: {  	v1 =	vmul.f32 $2.000000030e-01, v0;
	_ =	sdelay $0x1  }
0x43: {  	v0 =	vmax.f32 v0, v1  }
0x44: {  	v0 =	vmul.f32 $1.442695020e+00, v0;
	_ =	sdelay $0x1  }
0x45: {  	v37 =	vld [tilespmem:$0x5050];
	(erf) = vpow2.f32 v0;
	_ =	sdelay $0x1  }
0x46: {  	v38 =	vld [tilespmem:$0x4E50];
	_ =	sdelay $0x2  }
0x47: {  	vm11 =	vgt.s32 v37, $0x0  }
0x48: {  	v0 =	vnsel vm11, $0x0, v37  }
0x49: {  	v1 =	vshll.u32 v38, $0x1;
	v0 =	vshll.u32 v0, $0x1  }
0x4a: {  	s30 =	sadd.s32 $0x20, s15;
	v0 =	vor.u32 $0x1, v0  }
0x4b: {  	p1 =	slt.u32 s30, $0x4E200;
	v39 =	vpop (erf)  }
0x4c: {  	v2 =	vpsel !p1, $0x0, v39  }
0x4d: {  	[tilespmem:$0x5240] =	vst v2  }
0x4e: {  	v1 =	vld.idx.msk [tilespmem:v1+s3+$0x0], $0xffff  }
0x4f: {  	v0 =	vld.idx.msk [tilespmem:v0+s3+$0x0], $0xffff;
	_ =	sdelay $0x4  }
0x50: {  	v0 =	vadd.f32 v0, v1;
	_ =	sdelay $0x1  }
0x51: {  	v1 =	vmul.f32 $2.000000030e-01, v0;
	_ =	sdelay $0x1  }
0x52: {  	v0 =	vmax.f32 v0, v1  }
0x53: {  	v0 =	vmul.f32 $1.442695020e+00, v0;
	_ =	sdelay $0x1  }
0x54: {  	v40 =	vld [tilespmem:$0x5060];
	(erf) = vpow2.f32 v0;
	_ =	sdelay $0x1  }
0x55: {  	v41 =	vld [tilespmem:$0x4E60];
	_ =	sdelay $0x2  }
0x56: {  	vm12 =	vgt.s32 v40, $0x0  }
0x57: {  	v0 =	vnsel vm12, $0x0, v40  }
0x58: {  	v1 =	vshll.u32 v41, $0x1;
	v0 =	vshll.u32 v0, $0x1  }
0x59: {  	s31 =	sadd.s32 $0x30, s15;
	v0 =	vor.u32 $0x1, v0  }
0x5a: {  	p2 =	slt.u32 s31, $0x4E200;
	v42 =	vpop (erf)  }
0x5b: {  	v2 =	vpsel !p2, $0x0, v42  }
0x5c: {  	[tilespmem:$0x5250] =	vst v2  }
0x5d: {  	v1 =	vld.idx.msk [tilespmem:v1+s3+$0x0], $0xffff  }
0x5e: {  	v0 =	vld.idx.msk [tilespmem:v0+s3+$0x0], $0xffff;
	_ =	sdelay $0x4  }
0x5f: {  	v0 =	vadd.f32 v0, v1;
	_ =	sdelay $0x1  }
0x60: {  	v1 =	vmul.f32 $2.000000030e-01, v0;
	_ =	sdelay $0x1  }
0x61: {  	v0 =	vmax.f32 v0, v1  }
0x62: {  	v0 =	vmul.f32 $1.442695020e+00, v0;
	_ =	sdelay $0x1  }
0x63: {  	v43 =	vld [tilespmem:$0x5070];
	(erf) = vpow2.f32 v0;
	_ =	sdelay $0x1  }
0x64: {  	v44 =	vld [tilespmem:$0x4E70];
	_ =	sdelay $0x2  }
0x65: {  	vm13 =	vgt.s32 v43, $0x0  }
0x66: {  	v0 =	vnsel vm13, $0x0, v43  }
0x67: {  	v1 =	vshll.u32 v44, $0x1;
	v0 =	vshll.u32 v0, $0x1  }
0x68: {  	s17 =	sadd.s32 $0x40, s15;
	v0 =	vor.u32 $0x1, v0  }
0x69: {  	p3 =	slt.u32 s17, $0x4E200;
	v45 =	vpop (erf)  }
0x6a: {  	v2 =	vpsel !p3, $0x0, v45  }
0x6b: {  	[tilespmem:$0x5260] =	vst v2  }
0x6c: {  	v1 =	vld.idx.msk [tilespmem:v1+s3+$0x0], $0xffff  }
0x6d: {  	v0 =	vld.idx.msk [tilespmem:v0+s3+$0x0], $0xffff;
	_ =	sdelay $0x4  }
0x6e: {  	v0 =	vadd.f32 v0, v1;
	_ =	sdelay $0x1  }
0x6f: {  	v1 =	vmul.f32 $2.000000030e-01, v0;
	_ =	sdelay $0x1  }
0x70: {  	v0 =	vmax.f32 v0, v1  }
0x71: {  	v0 =	vmul.f32 $1.442695020e+00, v0;
	_ =	sdelay $0x1  }
0x72: {  	v46 =	vld [tilespmem:$0x5080];
	(erf) = vpow2.f32 v0;
	_ =	sdelay $0x1  }
0x73: {  	v47 =	vld [tilespmem:$0x4E80];
	_ =	sdelay $0x2  }
0x74: {  	vm14 =	vgt.s32 v46, $0x0  }
0x75: {  	v0 =	vnsel vm14, $0x0, v46  }
0x76: {  	v1 =	vshll.u32 v47, $0x1;
	v0 =	vshll.u32 v0, $0x1  }
0x77: {  	s18 =	sadd.s32 $0x50, s15;
	v0 =	vor.u32 $0x1, v0  }
0x78: {  	p4 =	slt.u32 s18, $0x4E200;
	v48 =	vpop (erf)  }
0x79: {  	v2 =	vpsel !p4, $0x0, v48  }
0x7a: {  	[tilespmem:$0x5270] =	vst v2  }
0x7b: {  	v1 =	vld.idx.msk [tilespmem:v1+s3+$0x0], $0xffff  }
0x7c: {  	v0 =	vld.idx.msk [tilespmem:v0+s3+$0x0], $0xffff;
	_ =	sdelay $0x4  }
0x7d: {  	v0 =	vadd.f32 v0, v1;
	_ =	sdelay $0x1  }
0x7e: {  	v1 =	vmul.f32 $2.000000030e-01, v0;
	_ =	sdelay $0x1  }
0x7f: {  	v0 =	vmax.f32 v0, v1  }
0x80: {  	v0 =	vmul.f32 $1.442695020e+00, v0;
	_ =	sdelay $0x1  }
0x81: {  	v49 =	vld [tilespmem:$0x5090];
	(erf) = vpow2.f32 v0;
	_ =	sdelay $0x1  }
0x82: {  	v50 =	vld [tilespmem:$0x4E90];
	_ =	sdelay $0x2  }
0x83: {  	vm15 =	vgt.s32 v49, $0x0  }
0x84: {  	v0 =	vnsel vm15, $0x0, v49  }
0x85: {  	v1 =	vshll.u32 v50, $0x1;
	v0 =	vshll.u32 v0, $0x1  }
0x86: {  	s19 =	sadd.s32 $0x60, s15;
	v0 =	vor.u32 $0x1, v0  }
0x87: {  	p5 =	slt.u32 s19, $0x4E200;
	v51 =	vpop (erf)  }
0x88: {  	v2 =	vpsel !p5, $0x0, v51  }
0x89: {  	[tilespmem:$0x5280] =	vst v2  }
0x8a: {  	v1 =	vld.idx.msk [tilespmem:v1+s3+$0x0], $0xffff  }
0x8b: {  	v0 =	vld.idx.msk [tilespmem:v0+s3+$0x0], $0xffff;
	_ =	sdelay $0x4  }
0x8c: {  	v0 =	vadd.f32 v0, v1;
	_ =	sdelay $0x1  }
0x8d: {  	v1 =	vmul.f32 $2.000000030e-01, v0;
	_ =	sdelay $0x1  }
0x8e: {  	v0 =	vmax.f32 v0, v1  }
0x8f: {  	v0 =	vmul.f32 $1.442695020e+00, v0;
	_ =	sdelay $0x1  }
0x90: {  	v52 =	vld [tilespmem:$0x50A0];
	(erf) = vpow2.f32 v0;
	_ =	sdelay $0x1  }
0x91: {  	v53 =	vld [tilespmem:$0x4EA0];
	_ =	sdelay $0x2  }
0x92: {  	vm4 =	vgt.s32 v52, $0x0  }
0x93: {  	v0 =	vnsel vm4, $0x0, v52  }
0x94: {  	v1 =	vshll.u32 v53, $0x1;
	v0 =	vshll.u32 v0, $0x1  }
0x95: {  	s20 =	sadd.s32 $0x70, s15;
	v0 =	vor.u32 $0x1, v0  }
0x96: {  	p6 =	slt.u32 s20, $0x4E200;
	v54 =	vpop (erf)  }
0x97: {  	v2 =	vpsel !p6, $0x0, v54  }
0x98: {  	[tilespmem:$0x5290] =	vst v2  }
0x99: {  	v1 =	vld.idx.msk [tilespmem:v1+s3+$0x0], $0xffff  }
0x9a: {  	v0 =	vld.idx.msk [tilespmem:v0+s3+$0x0], $0xffff;
	_ =	sdelay $0x4  }
0x9b: {  	v0 =	vadd.f32 v0, v1;
	_ =	sdelay $0x1  }
0x9c: {  	v1 =	vmul.f32 $2.000000030e-01, v0;
	_ =	sdelay $0x1  }
0x9d: {  	v0 =	vmax.f32 v0, v1  }
0x9e: {  	v0 =	vmul.f32 $1.442695020e+00, v0;
	_ =	sdelay $0x1  }
0x9f: {  	v55 =	vld [tilespmem:$0x50B0];
	(erf) = vpow2.f32 v0;
	_ =	sdelay $0x1  }
0xa0: {  	v56 =	vld [tilespmem:$0x4EB0];
	_ =	sdelay $0x2  }
0xa1: {  	vm5 =	vgt.s32 v55, $0x0  }
0xa2: {  	v0 =	vnsel vm5, $0x0, v55  }
0xa3: {  	v1 =	vshll.u32 v56, $0x1;
	v0 =	vshll.u32 v0, $0x1  }
0xa4: {  	s21 =	sadd.s32 $0x80, s15;
	v0 =	vor.u32 $0x1, v0  }
0xa5: {  	p1 =	slt.u32 s21, $0x4E200;
	v57 =	vpop (erf)  }
0xa6: {  	v2 =	vpsel !p1, $0x0, v57  }
0xa7: {  	[tilespmem:$0x52A0] =	vst v2  }
0xa8: {  	v1 =	vld.idx.msk [tilespmem:v1+s3+$0x0], $0xffff  }
0xa9: {  	v0 =	vld.idx.msk [tilespmem:v0+s3+$0x0], $0xffff;
	_ =	sdelay $0x4  }
0xaa: {  	v0 =	vadd.f32 v0, v1;
	_ =	sdelay $0x1  }
0xab: {  	v1 =	vmul.f32 $2.000000030e-01, v0;
	_ =	sdelay $0x1  }
0xac: {  	v0 =	vmax.f32 v0, v1  }
0xad: {  	v0 =	vmul.f32 $1.442695020e+00, v0;
	_ =	sdelay $0x1  }
0xae: {  	v58 =	vld [tilespmem:$0x50C0];
	(erf) = vpow2.f32 v0;
	_ =	sdelay $0x1  }
0xaf: {  	v59 =	vld [tilespmem:$0x4EC0];
	_ =	sdelay $0x2  }
0xb0: {  	vm6 =	vgt.s32 v58, $0x0  }
0xb1: {  	v0 =	vnsel vm6, $0x0, v58  }
0xb2: {  	v1 =	vshll.u32 v59, $0x1;
	v0 =	vshll.u32 v0, $0x1  }
0xb3: {  	s22 =	sadd.s32 $0x90, s15;
	v0 =	vor.u32 $0x1, v0  }
0xb4: {  	p2 =	slt.u32 s22, $0x4E200;
	v60 =	vpop (erf)  }
0xb5: {  	v2 =	vpsel !p2, $0x0, v60  }
0xb6: {  	[tilespmem:$0x52B0] =	vst v2  }
0xb7: {  	v1 =	vld.idx.msk [tilespmem:v1+s3+$0x0], $0xffff  }
0xb8: {  	v0 =	vld.idx.msk [tilespmem:v0+s3+$0x0], $0xffff;
	_ =	sdelay $0x4  }
0xb9: {  	v0 =	vadd.f32 v0, v1;
	_ =	sdelay $0x1  }
0xba: {  	v1 =	vmul.f32 $2.000000030e-01, v0;
	_ =	sdelay $0x1  }
0xbb: {  	v0 =	vmax.f32 v0, v1  }
0xbc: {  	v0 =	vmul.f32 $1.442695020e+00, v0;
	_ =	sdelay $0x1  }
0xbd: {  	v61 =	vld [tilespmem:$0x50D0];
	(erf) = vpow2.f32 v0;
	_ =	sdelay $0x1  }
0xbe: {  	v62 =	vld [tilespmem:$0x4ED0];
	_ =	sdelay $0x2  }
0xbf: {  	vm7 =	vgt.s32 v61, $0x0  }
0xc0: {  	v0 =	vnsel vm7, $0x0, v61  }
0xc1: {  	v1 =	vshll.u32 v62, $0x1;
	v0 =	vshll.u32 v0, $0x1  }
0xc2: {  	s23 =	sadd.s32 $0xA0, s15;
	v0 =	vor.u32 $0x1, v0  }
0xc3: {  	p3 =	slt.u32 s23, $0x4E200;
	v63 =	vpop (erf)  }
0xc4: {  	v2 =	vpsel !p3, $0x0, v63  }
0xc5: {  	[tilespmem:$0x52C0] =	vst v2  }
0xc6: {  	v1 =	vld.idx.msk [tilespmem:v1+s3+$0x0], $0xffff  }
0xc7: {  	v0 =	vld.idx.msk [tilespmem:v0+s3+$0x0], $0xffff;
	_ =	sdelay $0x4  }
0xc8: {  	v0 =	vadd.f32 v0, v1;
	_ =	sdelay $0x1  }
0xc9: {  	v1 =	vmul.f32 $2.000000030e-01, v0;
	_ =	sdelay $0x1  }
0xca: {  	v0 =	vmax.f32 v0, v1  }
0xcb: {  	v0 =	vmul.f32 $1.442695020e+00, v0;
	_ =	sdelay $0x1  }
0xcc: {  	v4 =	vld [tilespmem:$0x50E0];
	(erf) = vpow2.f32 v0;
	_ =	sdelay $0x1  }
0xcd: {  	v5 =	vld [tilespmem:$0x4EE0];
	_ =	sdelay $0x2  }
0xce: {  	vm8 =	vgt.s32 v4, $0x0  }
0xcf: {  	v0 =	vnsel vm8, $0x0, v4  }
0xd0: {  	v1 =	vshll.u32 v5, $0x1;
	v0 =	vshll.u32 v0, $0x1  }
0xd1: {  	s24 =	sadd.s32 $0xB0, s15;
	v0 =	vor.u32 $0x1, v0  }
0xd2: {  	p4 =	slt.u32 s24, $0x4E200;
	v6 =	vpop (erf)  }
0xd3: {  	v2 =	vpsel !p4, $0x0, v6  }
0xd4: {  	[tilespmem:$0x52D0] =	vst v2  }
0xd5: {  	v1 =	vld.idx.msk [tilespmem:v1+s3+$0x0], $0xffff  }
0xd6: {  	v0 =	vld.idx.msk [tilespmem:v0+s3+$0x0], $0xffff;
	_ =	sdelay $0x4  }
0xd7: {  	v0 =	vadd.f32 v0, v1;
	_ =	sdelay $0x1  }
0xd8: {  	v1 =	vmul.f32 $2.000000030e-01, v0;
	_ =	sdelay $0x1  }
0xd9: {  	v0 =	vmax.f32 v0, v1  }
0xda: {  	v0 =	vmul.f32 $1.442695020e+00, v0;
	_ =	sdelay $0x1  }
0xdb: {  	v7 =	vld [tilespmem:$0x50F0];
	(erf) = vpow2.f32 v0;
	_ =	sdelay $0x1  }
0xdc: {  	v8 =	vld [tilespmem:$0x4EF0];
	_ =	sdelay $0x2  }
0xdd: {  	vm9 =	vgt.s32 v7, $0x0  }
0xde: {  	v0 =	vnsel vm9, $0x0, v7  }
0xdf: {  	v1 =	vshll.u32 v8, $0x1;
	v0 =	vshll.u32 v0, $0x1  }
0xe0: {  	s25 =	sadd.s32 $0xC0, s15;
	v0 =	vor.u32 $0x1, v0  }
0xe1: {  	p5 =	slt.u32 s25, $0x4E200;
	v9 =	vpop (erf)  }
0xe2: {  	v2 =	vpsel !p5, $0x0, v9  }
0xe3: {  	[tilespmem:$0x52E0] =	vst v2  }
0xe4: {  	v1 =	vld.idx.msk [tilespmem:v1+s3+$0x0], $0xffff  }
0xe5: {  	v0 =	vld.idx.msk [tilespmem:v0+s3+$0x0], $0xffff;
	_ =	sdelay $0x4  }
0xe6: {  	v0 =	vadd.f32 v0, v1;
	_ =	sdelay $0x1  }
0xe7: {  	v1 =	vmul.f32 $2.000000030e-01, v0;
	_ =	sdelay $0x1  }
0xe8: {  	v0 =	vmax.f32 v0, v1  }
0xe9: {  	v0 =	vmul.f32 $1.442695020e+00, v0;
	_ =	sdelay $0x1  }
0xea: {  	v10 =	vld [tilespmem:$0x5100];
	(erf) = vpow2.f32 v0;
	_ =	sdelay $0x1  }
0xeb: {  	v11 =	vld [tilespmem:$0x4F00];
	_ =	sdelay $0x2  }
0xec: {  	vm10 =	vgt.s32 v10, $0x0  }
0xed: {  	v0 =	vnsel vm10, $0x0, v10  }
0xee: {  	v1 =	vshll.u32 v11, $0x1;
	v0 =	vshll.u32 v0, $0x1  }
0xef: {  	s26 =	sadd.s32 $0xD0, s15;
	v0 =	vor.u32 $0x1, v0  }
0xf0: {  	p6 =	slt.u32 s26, $0x4E200;
	v12 =	vpop (erf)  }
0xf1: {  	v2 =	vpsel !p6, $0x0, v12  }
0xf2: {  	[tilespmem:$0x52F0] =	vst v2  }
0xf3: {  	v1 =	vld.idx.msk [tilespmem:v1+s3+$0x0], $0xffff  }
0xf4: {  	v0 =	vld.idx.msk [tilespmem:v0+s3+$0x0], $0xffff;
	_ =	sdelay $0x4  }
0xf5: {  	v0 =	vadd.f32 v0, v1;
	_ =	sdelay $0x1  }
0xf6: {  	v1 =	vmul.f32 $2.000000030e-01, v0;
	_ =	sdelay $0x1  }
0xf7: {  	v0 =	vmax.f32 v0, v1  }
0xf8: {  	v0 =	vmul.f32 $1.442695020e+00, v0;
	_ =	sdelay $0x1  }
0xf9: {  	v13 =	vld [tilespmem:$0x5110];
	(erf) = vpow2.f32 v0;
	_ =	sdelay $0x1  }
0xfa: {  	v14 =	vld [tilespmem:$0x4F10];
	_ =	sdelay $0x2  }
0xfb: {  	vm11 =	vgt.s32 v13, $0x0  }
0xfc: {  	v0 =	vnsel vm11, $0x0, v13  }
0xfd: {  	v1 =	vshll.u32 v14, $0x1;
	v0 =	vshll.u32 v0, $0x1  }
0xfe: {  	s28 =	sadd.s32 $0xE0, s15;
	v0 =	vor.u32 $0x1, v0  }
0xff: {  	p1 =	slt.u32 s28, $0x4E200;
	v15 =	vpop (erf)  }
0x100: {  	v2 =	vpsel !p1, $0x0, v15  }
0x101: {  	[tilespmem:$0x5300] =	vst v2  }
0x102: {  	v1 =	vld.idx.msk [tilespmem:v1+s3+$0x0], $0xffff  }
0x103: {  	v0 =	vld.idx.msk [tilespmem:v0+s3+$0x0], $0xffff;
	_ =	sdelay $0x4  }
0x104: {  	v0 =	vadd.f32 v0, v1;
	_ =	sdelay $0x1  }
0x105: {  	v1 =	vmul.f32 $2.000000030e-01, v0;
	_ =	sdelay $0x1  }
0x106: {  	v0 =	vmax.f32 v0, v1  }
0x107: {  	v0 =	vmul.f32 $1.442695020e+00, v0;
	_ =	sdelay $0x1  }
0x108: {  	v16 =	vld [tilespmem:$0x5120];
	(erf) = vpow2.f32 v0;
	_ =	sdelay $0x1  }
0x109: {  	v17 =	vld [tilespmem:$0x4F20];
	_ =	sdelay $0x2  }
0x10a: {  	vm12 =	vgt.s32 v16, $0x0  }
0x10b: {  	v0 =	vnsel vm12, $0x0, v16  }
0x10c: {  	v1 =	vshll.u32 v17, $0x1;
	v0 =	vshll.u32 v0, $0x1  }
0x10d: {  	s29 =	sadd.s32 $0xF0, s15;
	v0 =	vor.u32 $0x1, v0  }
0x10e: {  	p2 =	slt.u32 s29, $0x4E200;
	v18 =	vpop (erf)  }
0x10f: {  	v2 =	vpsel !p2, $0x0, v18  }
0x110: {  	[tilespmem:$0x5310] =	vst v2  }
0x111: {  	v1 =	vld.idx.msk [tilespmem:v1+s3+$0x0], $0xffff  }
0x112: {  	v0 =	vld.idx.msk [tilespmem:v0+s3+$0x0], $0xffff;
	_ =	sdelay $0x4  }
0x113: {  	v0 =	vadd.f32 v0, v1;
	_ =	sdelay $0x1  }
0x114: {  	v1 =	vmul.f32 $2.000000030e-01, v0;
	_ =	sdelay $0x1  }
0x115: {  	v0 =	vmax.f32 v0, v1  }
0x116: {  	v0 =	vmul.f32 $1.442695020e+00, v0;
	_ =	sdelay $0x1  }
0x117: {  	v19 =	vld [tilespmem:$0x5130];
	(erf) = vpow2.f32 v0;
	_ =	sdelay $0x1  }
0x118: {  	v20 =	vld [tilespmem:$0x4F30];
	_ =	sdelay $0x2  }
0x119: {  	vm13 =	vgt.s32 v19, $0x0  }
0x11a: {  	v0 =	vnsel vm13, $0x0, v19  }
0x11b: {  	v1 =	vshll.u32 v20, $0x1;
	v0 =	vshll.u32 v0, $0x1  }
0x11c: {  	s30 =	sadd.s32 $0x100, s15;
	v0 =	vor.u32 $0x1, v0  }
0x11d: {  	p3 =	slt.u32 s30, $0x4E200;
	v21 =	vpop (erf)  }
0x11e: {  	v2 =	vpsel !p3, $0x0, v21  }
0x11f: {  	[tilespmem:$0x5320] =	vst v2  }
0x120: {  	v1 =	vld.idx.msk [tilespmem:v1+s3+$0x0], $0xffff  }
0x121: {  	v0 =	vld.idx.msk [tilespmem:v0+s3+$0x0], $0xffff;
	_ =	sdelay $0x4  }
0x122: {  	v0 =	vadd.f32 v0, v1;
	_ =	sdelay $0x1  }
0x123: {  	v1 =	vmul.f32 $2.000000030e-01, v0;
	_ =	sdelay $0x1  }
0x124: {  	v0 =	vmax.f32 v0, v1  }
0x125: {  	v0 =	vmul.f32 $1.442695020e+00, v0;
	_ =	sdelay $0x1  }
0x126: {  	v22 =	vld [tilespmem:$0x5140];
	(erf) = vpow2.f32 v0;
	_ =	sdelay $0x1  }
0x127: {  	v23 =	vld [tilespmem:$0x4F40];
	_ =	sdelay $0x2  }
0x128: {  	vm14 =	vgt.s32 v22, $0x0  }
0x129: {  	v0 =	vnsel vm14, $0x0, v22  }
0x12a: {  	v1 =	vshll.u32 v23, $0x1;
	v0 =	vshll.u32 v0, $0x1  }
0x12b: {  	s31 =	sadd.s32 $0x110, s15;
	v0 =	vor.u32 $0x1, v0  }
0x12c: {  	p4 =	slt.u32 s31, $0x4E200;
	v24 =	vpop (erf)  }
0x12d: {  	v2 =	vpsel !p4, $0x0, v24  }
0x12e: {  	[tilespmem:$0x5330] =	vst v2  }
0x12f: {  	v1 =	vld.idx.msk [tilespmem:v1+s3+$0x0], $0xffff  }
0x130: {  	v0 =	vld.idx.msk [tilespmem:v0+s3+$0x0], $0xffff;
	_ =	sdelay $0x4  }
0x131: {  	v0 =	vadd.f32 v0, v1;
	_ =	sdelay $0x1  }
0x132: {  	v1 =	vmul.f32 $2.000000030e-01, v0;
	_ =	sdelay $0x1  }
0x133: {  	v0 =	vmax.f32 v0, v1  }
0x134: {  	v0 =	vmul.f32 $1.442695020e+00, v0;
	_ =	sdelay $0x1  }
0x135: {  	v25 =	vld [tilespmem:$0x5150];
	(erf) = vpow2.f32 v0;
	_ =	sdelay $0x1  }
0x136: {  	v26 =	vld [tilespmem:$0x4F50];
	_ =	sdelay $0x2  }
0x137: {  	vm15 =	vgt.s32 v25, $0x0  }
0x138: {  	v0 =	vnsel vm15, $0x0, v25  }
0x139: {  	v1 =	vshll.u32 v26, $0x1;
	v0 =	vshll.u32 v0, $0x1  }
0x13a: {  	s17 =	sadd.s32 $0x120, s15;
	v0 =	vor.u32 $0x1, v0  }
0x13b: {  	p5 =	slt.u32 s17, $0x4E200;
	v27 =	vpop (erf)  }
0x13c: {  	v2 =	vpsel !p5, $0x0, v27  }
0x13d: {  	[tilespmem:$0x5340] =	vst v2  }
0x13e: {  	v1 =	vld.idx.msk [tilespmem:v1+s3+$0x0], $0xffff  }
0x13f: {  	v0 =	vld.idx.msk [tilespmem:v0+s3+$0x0], $0xffff;
	_ =	sdelay $0x4  }
0x140: {  	v0 =	vadd.f32 v0, v1;
	_ =	sdelay $0x1  }
0x141: {  	v1 =	vmul.f32 $2.000000030e-01, v0;
	_ =	sdelay $0x1  }
0x142: {  	v0 =	vmax.f32 v0, v1  }
0x143: {  	v0 =	vmul.f32 $1.442695020e+00, v0;
	_ =	sdelay $0x1  }
0x144: {  	v28 =	vld [tilespmem:$0x5160];
	(erf) = vpow2.f32 v0;
	_ =	sdelay $0x1  }
0x145: {  	v29 =	vld [tilespmem:$0x4F60];
	_ =	sdelay $0x2  }
0x146: {  	vm4 =	vgt.s32 v28, $0x0  }
0x147: {  	v0 =	vnsel vm4, $0x0, v28  }
0x148: {  	v1 =	vshll.u32 v29, $0x1;
	v0 =	vshll.u32 v0, $0x1  }
0x149: {  	s18 =	sadd.s32 $0x130, s15;
	v0 =	vor.u32 $0x1, v0  }
0x14a: {  	p6 =	slt.u32 s18, $0x4E200;
	v30 =	vpop (erf)  }
0x14b: {  	v2 =	vpsel !p6, $0x0, v30  }
0x14c: {  	[tilespmem:$0x5350] =	vst v2  }
0x14d: {  	v1 =	vld.idx.msk [tilespmem:v1+s3+$0x0], $0xffff  }
0x14e: {  	v0 =	vld.idx.msk [tilespmem:v0+s3+$0x0], $0xffff;
	_ =	sdelay $0x4  }
0x14f: {  	v0 =	vadd.f32 v0, v1;
	_ =	sdelay $0x1  }
0x150: {  	v1 =	vmul.f32 $2.000000030e-01, v0;
	_ =	sdelay $0x1  }
0x151: {  	v0 =	vmax.f32 v0, v1  }
0x152: {  	v0 =	vmul.f32 $1.442695020e+00, v0;
	_ =	sdelay $0x1  }
0x153: {  	v31 =	vld [tilespmem:$0x5170];
	(erf) = vpow2.f32 v0;
	_ =	sdelay $0x1  }
0x154: {  	v32 =	vld [tilespmem:$0x4F70];
	_ =	sdelay $0x2  }
0x155: {  	vm5 =	vgt.s32 v31, $0x0  }
0x156: {  	v0 =	vnsel vm5, $0x0, v31  }
0x157: {  	v1 =	vshll.u32 v32, $0x1;
	v0 =	vshll.u32 v0, $0x1  }
0x158: {  	s19 =	sadd.s32 $0x140, s15;
	v0 =	vor.u32 $0x1, v0  }
0x159: {  	p1 =	slt.u32 s19, $0x4E200;
	v33 =	vpop (erf)  }
0x15a: {  	v2 =	vpsel !p1, $0x0, v33  }
0x15b: {  	[tilespmem:$0x5360] =	vst v2  }
0x15c: {  	v1 =	vld.idx.msk [tilespmem:v1+s3+$0x0], $0xffff  }
0x15d: {  	v0 =	vld.idx.msk [tilespmem:v0+s3+$0x0], $0xffff;
	_ =	sdelay $0x4  }
0x15e: {  	v0 =	vadd.f32 v0, v1;
	_ =	sdelay $0x1  }
0x15f: {  	v1 =	vmul.f32 $2.000000030e-01, v0;
	_ =	sdelay $0x1  }
0x160: {  	v0 =	vmax.f32 v0, v1  }
0x161: {  	v0 =	vmul.f32 $1.442695020e+00, v0;
	_ =	sdelay $0x1  }
0x162: {  	v34 =	vld [tilespmem:$0x5180];
	(erf) = vpow2.f32 v0;
	_ =	sdelay $0x1  }
0x163: {  	v35 =	vld [tilespmem:$0x4F80];
	_ =	sdelay $0x2  }
0x164: {  	vm6 =	vgt.s32 v34, $0x0  }
0x165: {  	v0 =	vnsel vm6, $0x0, v34  }
0x166: {  	v1 =	vshll.u32 v35, $0x1;
	v0 =	vshll.u32 v0, $0x1  }
0x167: {  	s20 =	sadd.s32 $0x150, s15;
	v0 =	vor.u32 $0x1, v0  }
0x168: {  	p2 =	slt.u32 s20, $0x4E200;
	v36 =	vpop (erf)  }
0x169: {  	v2 =	vpsel !p2, $0x0, v36  }
0x16a: {  	[tilespmem:$0x5370] =	vst v2  }
0x16b: {  	v1 =	vld.idx.msk [tilespmem:v1+s3+$0x0], $0xffff  }
0x16c: {  	v0 =	vld.idx.msk [tilespmem:v0+s3+$0x0], $0xffff;
	_ =	sdelay $0x4  }
0x16d: {  	v0 =	vadd.f32 v0, v1;
	_ =	sdelay $0x1  }
0x16e: {  	v1 =	vmul.f32 $2.000000030e-01, v0;
	_ =	sdelay $0x1  }
0x16f: {  	v0 =	vmax.f32 v0, v1  }
0x170: {  	v0 =	vmul.f32 $1.442695020e+00, v0;
	_ =	sdelay $0x1  }
0x171: {  	v37 =	vld [tilespmem:$0x5190];
	(erf) = vpow2.f32 v0;
	_ =	sdelay $0x1  }
0x172: {  	v38 =	vld [tilespmem:$0x4F90];
	_ =	sdelay $0x2  }
0x173: {  	vm7 =	vgt.s32 v37, $0x0  }
0x174: {  	v0 =	vnsel vm7, $0x0, v37  }
0x175: {  	v1 =	vshll.u32 v38, $0x1;
	v0 =	vshll.u32 v0, $0x1  }
0x176: {  	s21 =	sadd.s32 $0x160, s15;
	v0 =	vor.u32 $0x1, v0  }
0x177: {  	p3 =	slt.u32 s21, $0x4E200;
	v39 =	vpop (erf)  }
0x178: {  	v2 =	vpsel !p3, $0x0, v39  }
0x179: {  	[tilespmem:$0x5380] =	vst v2  }
0x17a: {  	v1 =	vld.idx.msk [tilespmem:v1+s3+$0x0], $0xffff  }
0x17b: {  	v0 =	vld.idx.msk [tilespmem:v0+s3+$0x0], $0xffff;
	_ =	sdelay $0x4  }
0x17c: {  	v0 =	vadd.f32 v0, v1;
	_ =	sdelay $0x1  }
0x17d: {  	v1 =	vmul.f32 $2.000000030e-01, v0;
	_ =	sdelay $0x1  }
0x17e: {  	v0 =	vmax.f32 v0, v1  }
0x17f: {  	v0 =	vmul.f32 $1.442695020e+00, v0;
	_ =	sdelay $0x1  }
0x180: {  	v40 =	vld [tilespmem:$0x51A0];
	(erf) = vpow2.f32 v0;
	_ =	sdelay $0x1  }
0x181: {  	v41 =	vld [tilespmem:$0x4FA0];
	_ =	sdelay $0x2  }
0x182: {  	vm8 =	vgt.s32 v40, $0x0  }
0x183: {  	v0 =	vnsel vm8, $0x0, v40  }
0x184: {  	v1 =	vshll.u32 v41, $0x1;
	v0 =	vshll.u32 v0, $0x1  }
0x185: {  	s22 =	sadd.s32 $0x170, s15;
	v0 =	vor.u32 $0x1, v0  }
0x186: {  	p4 =	slt.u32 s22, $0x4E200;
	v42 =	vpop (erf)  }
0x187: {  	v2 =	vpsel !p4, $0x0, v42  }
0x188: {  	[tilespmem:$0x5390] =	vst v2  }
0x189: {  	v1 =	vld.idx.msk [tilespmem:v1+s3+$0x0], $0xffff  }
0x18a: {  	v0 =	vld.idx.msk [tilespmem:v0+s3+$0x0], $0xffff;
	_ =	sdelay $0x4  }
0x18b: {  	v0 =	vadd.f32 v0, v1;
	_ =	sdelay $0x1  }
0x18c: {  	v1 =	vmul.f32 $2.000000030e-01, v0;
	_ =	sdelay $0x1  }
0x18d: {  	v0 =	vmax.f32 v0, v1  }
0x18e: {  	v0 =	vmul.f32 $1.442695020e+00, v0;
	_ =	sdelay $0x1  }
0x18f: {  	v43 =	vld [tilespmem:$0x51B0];
	(erf) = vpow2.f32 v0;
	_ =	sdelay $0x1  }
0x190: {  	v44 =	vld [tilespmem:$0x4FB0];
	_ =	sdelay $0x2  }
0x191: {  	vm9 =	vgt.s32 v43, $0x0  }
0x192: {  	v0 =	vnsel vm9, $0x0, v43  }
0x193: {  	v1 =	vshll.u32 v44, $0x1;
	v0 =	vshll.u32 v0, $0x1  }
0x194: {  	s23 =	sadd.s32 $0x180, s15;
	v0 =	vor.u32 $0x1, v0  }
0x195: {  	p5 =	slt.u32 s23, $0x4E200;
	v45 =	vpop (erf)  }
0x196: {  	v2 =	vpsel !p5, $0x0, v45  }
0x197: {  	[tilespmem:$0x53A0] =	vst v2  }
0x198: {  	v1 =	vld.idx.msk [tilespmem:v1+s3+$0x0], $0xffff  }
0x199: {  	v0 =	vld.idx.msk [tilespmem:v0+s3+$0x0], $0xffff;
	_ =	sdelay $0x4  }
0x19a: {  	v0 =	vadd.f32 v0, v1;
	_ =	sdelay $0x1  }
0x19b: {  	v1 =	vmul.f32 $2.000000030e-01, v0;
	_ =	sdelay $0x1  }
0x19c: {  	v0 =	vmax.f32 v0, v1  }
0x19d: {  	v0 =	vmul.f32 $1.442695020e+00, v0;
	_ =	sdelay $0x1  }
0x19e: {  	v46 =	vld [tilespmem:$0x51C0];
	(erf) = vpow2.f32 v0;
	_ =	sdelay $0x1  }
0x19f: {  	v47 =	vld [tilespmem:$0x4FC0];
	_ =	sdelay $0x2  }
0x1a0: {  	vm10 =	vgt.s32 v46, $0x0  }
0x1a1: {  	v0 =	vnsel vm10, $0x0, v46  }
0x1a2: {  	v1 =	vshll.u32 v47, $0x1;
	v0 =	vshll.u32 v0, $0x1  }
0x1a3: {  	s24 =	sadd.s32 $0x190, s15;
	v0 =	vor.u32 $0x1, v0  }
0x1a4: {  	p6 =	slt.u32 s24, $0x4E200;
	v48 =	vpop (erf)  }
0x1a5: {  	v2 =	vpsel !p6, $0x0, v48  }
0x1a6: {  	[tilespmem:$0x53B0] =	vst v2  }
0x1a7: {  	v1 =	vld.idx.msk [tilespmem:v1+s3+$0x0], $0xffff  }
0x1a8: {  	v0 =	vld.idx.msk [tilespmem:v0+s3+$0x0], $0xffff;
	_ =	sdelay $0x4  }
0x1a9: {  	v0 =	vadd.f32 v0, v1;
	_ =	sdelay $0x1  }
0x1aa: {  	v1 =	vmul.f32 $2.000000030e-01, v0;
	_ =	sdelay $0x1  }
0x1ab: {  	v0 =	vmax.f32 v0, v1  }
0x1ac: {  	v0 =	vmul.f32 $1.442695020e+00, v0;
	_ =	sdelay $0x1  }
0x1ad: {  	v49 =	vld [tilespmem:$0x51D0];
	(erf) = vpow2.f32 v0;
	_ =	sdelay $0x1  }
0x1ae: {  	v50 =	vld [tilespmem:$0x4FD0];
	_ =	sdelay $0x2  }
0x1af: {  	vm11 =	vgt.s32 v49, $0x0  }
0x1b0: {  	v0 =	vnsel vm11, $0x0, v49  }
0x1b1: {  	v1 =	vshll.u32 v50, $0x1;
	v0 =	vshll.u32 v0, $0x1  }
0x1b2: {  	s25 =	sadd.s32 $0x1A0, s15;
	v0 =	vor.u32 $0x1, v0  }
0x1b3: {  	p1 =	slt.u32 s25, $0x4E200;
	v51 =	vpop (erf)  }
0x1b4: {  	v2 =	vpsel !p1, $0x0, v51  }
0x1b5: {  	[tilespmem:$0x53C0] =	vst v2  }
0x1b6: {  	v1 =	vld.idx.msk [tilespmem:v1+s3+$0x0], $0xffff  }
0x1b7: {  	v0 =	vld.idx.msk [tilespmem:v0+s3+$0x0], $0xffff;
	_ =	sdelay $0x4  }
0x1b8: {  	v0 =	vadd.f32 v0, v1;
	_ =	sdelay $0x1  }
0x1b9: {  	v1 =	vmul.f32 $2.000000030e-01, v0;
	_ =	sdelay $0x1  }
0x1ba: {  	v0 =	vmax.f32 v0, v1  }
0x1bb: {  	v0 =	vmul.f32 $1.442695020e+00, v0;
	_ =	sdelay $0x1  }
0x1bc: {  	v52 =	vld [tilespmem:$0x51E0];
	(erf) = vpow2.f32 v0;
	_ =	sdelay $0x1  }
0x1bd: {  	v53 =	vld [tilespmem:$0x4FE0];
	_ =	sdelay $0x2  }
0x1be: {  	vm12 =	vgt.s32 v52, $0x0  }
0x1bf: {  	v0 =	vnsel vm12, $0x0, v52  }
0x1c0: {  	v1 =	vshll.u32 v53, $0x1;
	v0 =	vshll.u32 v0, $0x1  }
0x1c1: {  	s26 =	sadd.s32 $0x1B0, s15;
	v0 =	vor.u32 $0x1, v0  }
0x1c2: {  	p2 =	slt.u32 s26, $0x4E200;
	v54 =	vpop (erf)  }
0x1c3: {  	v2 =	vpsel !p2, $0x0, v54  }
0x1c4: {  	[tilespmem:$0x53D0] =	vst v2  }
0x1c5: {  	v1 =	vld.idx.msk [tilespmem:v1+s3+$0x0], $0xffff  }
0x1c6: {  	v0 =	vld.idx.msk [tilespmem:v0+s3+$0x0], $0xffff;
	_ =	sdelay $0x4  }
0x1c7: {  	v0 =	vadd.f32 v0, v1;
	_ =	sdelay $0x1  }
0x1c8: {  	v1 =	vmul.f32 $2.000000030e-01, v0;
	_ =	sdelay $0x1  }
0x1c9: {  	v0 =	vmax.f32 v0, v1  }
0x1ca: {  	v0 =	vmul.f32 $1.442695020e+00, v0;
	_ =	sdelay $0x1  }
0x1cb: {  	v55 =	vld [tilespmem:$0x51F0];
	(erf) = vpow2.f32 v0;
	_ =	sdelay $0x1  }
0x1cc: {  	v56 =	vld [tilespmem:$0x4FF0];
	_ =	sdelay $0x2  }
0x1cd: {  	vm13 =	vgt.s32 v55, $0x0  }
0x1ce: {  	v0 =	vnsel vm13, $0x0, v55  }
0x1cf: {  	v1 =	vshll.u32 v56, $0x1;
	v0 =	vshll.u32 v0, $0x1  }
0x1d0: {  	s28 =	sadd.s32 $0x1C0, s15;
	v0 =	vor.u32 $0x1, v0  }
0x1d1: {  	p3 =	slt.u32 s28, $0x4E200;
	v57 =	vpop (erf)  }
0x1d2: {  	v2 =	vpsel !p3, $0x0, v57  }
0x1d3: {  	[tilespmem:$0x53E0] =	vst v2  }
0x1d4: {  	v1 =	vld.idx.msk [tilespmem:v1+s3+$0x0], $0xffff  }
0x1d5: {  	v0 =	vld.idx.msk [tilespmem:v0+s3+$0x0], $0xffff;
	_ =	sdelay $0x4  }
0x1d6: {  	v0 =	vadd.f32 v0, v1;
	_ =	sdelay $0x1  }
0x1d7: {  	v1 =	vmul.f32 $2.000000030e-01, v0;
	_ =	sdelay $0x1  }
0x1d8: {  	v0 =	vmax.f32 v0, v1  }
0x1d9: {  	v0 =	vmul.f32 $1.442695020e+00, v0;
	_ =	sdelay $0x1  }
0x1da: {  	v58 =	vld [tilespmem:$0x5200];
	(erf) = vpow2.f32 v0;
	_ =	sdelay $0x1  }
0x1db: {  	v59 =	vld [tilespmem:$0x5000];
	_ =	sdelay $0x2  }
0x1dc: {  	vm14 =	vgt.s32 v58, $0x0  }
0x1dd: {  	v0 =	vnsel vm14, $0x0, v58  }
0x1de: {  	v1 =	vshll.u32 v59, $0x1;
	v0 =	vshll.u32 v0, $0x1  }
0x1df: {  	s29 =	sadd.s32 $0x1D0, s15;
	v0 =	vor.u32 $0x1, v0  }
0x1e0: {  	p4 =	slt.u32 s29, $0x4E200;
	v60 =	vpop (erf)  }
0x1e1: {  	v2 =	vpsel !p4, $0x0, v60  }
0x1e2: {  	[tilespmem:$0x53F0] =	vst v2  }
0x1e3: {  	v1 =	vld.idx.msk [tilespmem:v1+s3+$0x0], $0xffff  }
0x1e4: {  	v0 =	vld.idx.msk [tilespmem:v0+s3+$0x0], $0xffff;
	_ =	sdelay $0x4  }
0x1e5: {  	v0 =	vadd.f32 v0, v1;
	_ =	sdelay $0x1  }
0x1e6: {  	v1 =	vmul.f32 $2.000000030e-01, v0;
	_ =	sdelay $0x1  }
0x1e7: {  	v0 =	vmax.f32 v0, v1  }
0x1e8: {  	v0 =	vmul.f32 $1.442695020e+00, v0;
	_ =	sdelay $0x1  }
0x1e9: {  	v61 =	vld [tilespmem:$0x5210];
	(erf) = vpow2.f32 v0;
	_ =	sdelay $0x1  }
0x1ea: {  	v62 =	vld [tilespmem:$0x5010];
	_ =	sdelay $0x2  }
0x1eb: {  	vm15 =	vgt.s32 v61, $0x0  }
0x1ec: {  	v0 =	vnsel vm15, $0x0, v61  }
0x1ed: {  	v1 =	vshll.u32 v62, $0x1;
	v0 =	vshll.u32 v0, $0x1  }
0x1ee: {  	s30 =	sadd.s32 $0x1E0, s15;
	v0 =	vor.u32 $0x1, v0  }
0x1ef: {  	p5 =	slt.u32 s30, $0x4E200;
	v63 =	vpop (erf)  }
0x1f0: {  	v2 =	vpsel !p5, $0x0, v63  }
0x1f1: {  	[tilespmem:$0x5400] =	vst v2  }
0x1f2: {  	v1 =	vld.idx.msk [tilespmem:v1+s3+$0x0], $0xffff  }
0x1f3: {  	v0 =	vld.idx.msk [tilespmem:v0+s3+$0x0], $0xffff;
	_ =	sdelay $0x4  }
0x1f4: {  	v0 =	vadd.f32 v0, v1;
	_ =	sdelay $0x1  }
0x1f5: {  	v1 =	vmul.f32 $2.000000030e-01, v0;
	_ =	sdelay $0x1  }
0x1f6: {  	v0 =	vmax.f32 v0, v1  }
0x1f7: {  	v0 =	vmul.f32 $1.442695020e+00, v0;
	_ =	sdelay $0x1  }
0x1f8: {  	(erf) = vpow2.f32 v0;
	_ =	sdelay $0x7  }
0x1f9: {  	s15 =	sadd.s32 $0x1F0, s15  }
0x1fa: {  	p6 =	slt.u32 s15, $0x4E200;
	v0 =	vpop (erf)  }
0x1fb: {  	p0 =	sne.s32 s14, $0x2600;
	v0 =	vpsel !p6, $0x0, v0  }
.Ltmp0:
0x1fc: {  	s31 =	rddreg [dreg:$0x7];
	[tilespmem:$0x5410] =	vst v0;
	(pc) =	sbr.rel @p0 .LBB2_2-.Ltmp0, $4  }
0x1fd: {  	[hbm4b:s13+s3] =	stream.linear.scatter [tilespmem:s31], [sflag:$0x1], $0x200, $0x38;
	[tilespmem:$0x5420] =	vst v63  }
0x1fe: {  	_ =	swait.ge [sflag:s9], $0x200  }
0x1ff: {  	s11 =	sadd.s32 $0x40, s11;
	s12 =	sadd.s32 $0x40, s12;
	[sflag:s9] =	ssyncset.done $0x0  }
0x200: {  	s14 =	sadd.s32 $0x200, s14;
	s13 =	sadd.s32 $0x40, s13;
	[sflag:s9] =	ssyncadd.s32 $0xFFFFFE00  }
0x201: {  	s10 =	sadd.s32 $0x1, s10  }
0x202: {  	p0 =	sne.s32 s10, s5  }
.Ltmp1:
0x203: {  	_ = 	snop;
	(pc) =	sbr.rel @p0 .LBB2_1-.Ltmp1, $1  }
0x204: {  	_ =	sdelay $0x3  }
0x205: {  	_ =	sfence.sel $0x180000  }
0x206: {  	[bflag:$0x0] =	sbarrier.arrive $0xFFFF  }
0x207: {  	p0 =	sne.s32 s1, $0x0;
	_ =	strace $0x90000047  }
0x208: {  	s0 =	sadd.s32 @!p0 $0x100000, s2;
	[bflag:$0x2] =	sbarrier.arrive $0xFFFF  }
0x209: {  	[sflag:s0] =	ssyncadd.tile.s32 @!p0 $0x1;
	_ =	shalt  }
.Lfunc_end2:
_tile_overlayer_lowered:
.L_overlay_start_2:
0x20a: {  	(tag) =	ssettag $0x2  }
0x20b: {  	s0 =	rddreg [dreg:$0x0];
	s2 =	stileid.u32  }
0x20c: {  	s1 =	rddreg [dreg:$0x1];
	p0 =	sne.s32 s2, $0x0  }
0x20d: {  	s3 =	rddreg [dreg:$0x2];
	[bflag:$0x3] =	sbarrier.arrive $0xFFFF;
	s2 =	simm.s32 @!p0 $0x1C01  }
0x20e: {  	[timem:s3], [sflag:s2] =	dma.local @!p0 [hbm:s0], s1  }
0x20f: {  	s0 =	simm.s32 @!p0 $0x1  }
0x210: {  	_ =	swait.ge @!p0 [sflag:s0], s1  }
0x211: {  	s1 =	ssub.s32 @!p0 $0x0, s1;
	[sflag:s0] =	ssyncset.done @!p0 $0x0  }
0x212: {  	[sflag:s0] =	ssyncadd.s32 @!p0 s1  }
0x213: {  	[bflag:$0x3] =	sbarrier.arrive $0xFFFF  }
0x214: {  	_ =	shalt  }

</sc_bundles>
